<compile_context>
chip_gen: v7x
topology: tpu7x:2x2x1
jax: 0.10.2.dev20260603
libtpu: 0.0.44.dev20260713+nightly
codegen_flags: <defaults>
</compile_context>

<pallas_src>
import jax
import jax.numpy as jnp
from jax import lax
from jax.experimental import pallas as pl
from jax.experimental.pallas import tpu as pltpu
from jax.experimental.pallas import tpu_sc as plsc

B = 16384
L = 50
D = 32
REGS = 1e-05

NC = 2
NS = 16
NW = NC * NS
RPW = B // NW
CHUNK = 16
NCHUNK = RPW // CHUNK
IPC = CHUNK * L
GS = [(0, 128), (128, 128), (256, 128), (384, 128),
      (512, 128), (640, 128), (768, 32)]
LPAD = 65
BLK = 10
NBLK = L // BLK

_f32 = jnp.float32
_i32 = jnp.int32


def _sc_body(user_hbm, items_hbm, ids_hbm, ue_hbm, ie_hbm,
             good_hbm, part_hbm,
             uidx_v, urows_v, iidx_v, irows0_v, irows1_v, ids_v, logits_v,
             good_v, part_v, sem_u, sem_g0, sem_g1):
    wid = lax.axis_index("s") * NC + lax.axis_index("c")
    base = wid * RPW

    iota16 = lax.iota(_i32, 16)
    zf = jnp.zeros((16,), _f32)
    zi = jnp.zeros((16,), _i32)
    lane0 = iota16 == 0

    def fire(c, irows_ref, sem):
        for off, n in GS:
            src_ix = iidx_v.at[pl.ds(pl.multiple_of(c * IPC + off, 32), n)]
            pltpu.async_copy(ie_hbm.at[src_ix], irows_ref.at[pl.ds(off, n)],
                             sem)

    def drain(irows_ref, sem):
        pltpu.make_async_copy(ie_hbm.at[pl.ds(0, IPC)],
                              irows_ref.at[pl.ds(0, IPC)], sem).wait()

    pltpu.sync_copy(user_hbm.at[pl.ds(base, RPW)], uidx_v)
    pltpu.sync_copy(ids_hbm.at[pl.ds(base, RPW)], ids_v)
    pltpu.sync_copy(items_hbm.at[pl.ds(base * L, RPW * L)], iidx_v)
    for g in range(RPW // 128):
        pltpu.async_copy(ue_hbm.at[uidx_v.at[pl.ds(g * 128, 128)]],
                         urows_v.at[pl.ds(g * 128, 128)], sem_u)
    fire(0, irows0_v, sem_g0)
    fire(1, irows1_v, sem_g1)
    pltpu.make_async_copy(ue_hbm.at[pl.ds(0, RPW)], urows_v, sem_u).wait()

    tail_mask = iota16 < (L - 3 * 16)

    def compute(c, irows, carry):
        def row_body(r, cr):
            a0, a1, a2, a3 = cr
            ridx = c * CHUNK + r
            u0 = urows_v[ridx, pl.ds(0, 16)]
            u1 = urows_v[ridx, pl.ds(16, 16)]
            a0 = a0 + u0 * u0
            a1 = a1 + u1 * u1
            ib = r * L
            lb = r * LPAD
            ridxv = zi + ridx

            def dstep(d0, cr2):
                l0, l1, l2, l3, s0, s1, s2, s3 = cr2
                col = (iota16 + d0) & 31
                uv = plsc.load_gather(urows_v, [ridxv, col])
                e0 = plsc.load_gather(irows, [ib + iota16, col])
                e1 = plsc.load_gather(irows, [ib + 16 + iota16, col])
                e2 = plsc.load_gather(irows, [ib + 32 + iota16, col])
                e3 = plsc.load_gather(irows, [ib + 48 + iota16, col])
                e3 = jnp.where(tail_mask, e3, 0.0)
                return (l0 + uv * e0, l1 + uv * e1,
                        l2 + uv * e2, l3 + uv * e3,
                        s0 + e0 * e0, s1 + e1 * e1,
                        s2 + e2 * e2, s3 + e3 * e3)

            l0, l1, l2, l3, s0, s1, s2, s3 = lax.fori_loop(
                0, D, dstep, (zf, zf, zf, zf, zf, zf, zf, zf), unroll=4)
            logits_v[pl.ds(lb, 16)] = l0
            logits_v[pl.ds(lb + 16, 16)] = l1
            logits_v[pl.ds(lb + 32, 16)] = l2
            logits_v[pl.ds(lb + 48, 16)] = l3
            return (a0 + (s0 + s1), a1 + (s2 + s3), a2, a3)

        carry = lax.fori_loop(0, CHUNK, row_body, carry)

        rowbase = iota16 * LPAD

        def max_body(j, m):
            return jnp.maximum(m, plsc.load_gather(logits_v, [rowbase + j]))
        m = lax.fori_loop(0, L, max_body, zf - 3.0e38, unroll=4)

        def sum_body(j, s):
            return s + jnp.exp(
                plsc.load_gather(logits_v, [rowbase + j]) - m)
        s = lax.fori_loop(0, L, sum_body, zf, unroll=4)

        idv = ids_v[pl.ds(c * CHUNK, 16)]
        gl = plsc.load_gather(logits_v, [rowbase + idv])
        good_v[pl.ds(c * CHUNK, 16)] = jnp.exp(gl - m) / s
        return carry

    def pair_body(i, carry):
        c0 = 2 * i
        drain(irows0_v, sem_g0)
        carry = compute(c0, irows0_v, carry)

        @pl.when(c0 + 2 < NCHUNK)
        def _():
            fire(c0 + 2, irows0_v, sem_g0)

        drain(irows1_v, sem_g1)
        carry = compute(c0 + 1, irows1_v, carry)

        @pl.when(c0 + 3 < NCHUNK)
        def _():
            fire(c0 + 3, irows1_v, sem_g1)

        return carry

    a0, a1, a2, a3 = lax.fori_loop(0, NCHUNK // 2, pair_body,
                                   (zf, zf, zf, zf))

    part_v[...] = (a0 + a1) + (a2 + a3)
    pltpu.sync_copy(part_v, part_hbm.at[pl.ds(wid * 16, 16)])
    pltpu.sync_copy(good_v, good_hbm.at[pl.ds(base, RPW)])


@jax.jit
def _sc_call(user, items_flat, ids_flat, user_embedding, item_embedding):
    mesh = plsc.VectorSubcoreMesh(core_axis_name="c", subcore_axis_name="s")
    return pl.kernel(
        _sc_body,
        out_type=(jax.ShapeDtypeStruct((B,), _f32),
                  jax.ShapeDtypeStruct((NW * 16,), _f32)),
        mesh=mesh,
        compiler_params=pltpu.CompilerParams(
            needs_layout_passes=False, use_tc_tiling_on_sc=False),
        scratch_types=(
            pltpu.VMEM((RPW,), _i32),
            pltpu.VMEM((RPW, D), _f32),
            pltpu.VMEM((RPW * L,), _i32),
            pltpu.VMEM((IPC + 16, D), _f32),
            pltpu.VMEM((IPC + 16, D), _f32),
            pltpu.VMEM((RPW,), _i32),
            pltpu.VMEM((CHUNK * LPAD,), _f32),
            pltpu.VMEM((RPW,), _f32),
            pltpu.VMEM((16,), _f32),
            pltpu.SemaphoreType.DMA,
            pltpu.SemaphoreType.DMA,
            pltpu.SemaphoreType.DMA,
        ),
    )(user, items_flat, ids_flat, user_embedding, item_embedding)


def _tc_body(good_ref, reward_ref, part_ref, gan_ref, reg_ref):
    good = good_ref[...]
    rew = reward_ref[...]
    gan_ref[0, 0] = -jnp.sum(jnp.log(good) * rew) / B
    reg_ref[0, 0] = REGS * 0.5 * jnp.sum(part_ref[...])


@jax.jit
def _tc_call(good, reward, part):
    return pl.pallas_call(
        _tc_body,
        out_shape=(jax.ShapeDtypeStruct((1, 1), _f32),
                   jax.ShapeDtypeStruct((1, 1), _f32)),
        out_specs=(pl.BlockSpec(memory_space=pltpu.SMEM),
                   pl.BlockSpec(memory_space=pltpu.SMEM)),
    )(good.reshape(128, 128), reward.reshape(128, 128),
      part.reshape(4, 128))


def kernel(user, items, ids, reward, user_embedding, item_embedding, bias):
    del bias
    items_flat = items.reshape(-1)
    ids_flat = ids.reshape(-1)
    good, part = _sc_call(user, items_flat, ids_flat,
                          user_embedding, item_embedding)
    gan, reg = _tc_call(good, reward, part)
    return (gan[0, 0], reg[0, 0])

# --- scband reference (transcript-rebuilt; emitter-appended) ---
"""Pipeline reference for scband-generator-70918499992359 (READ-ONLY COPY).

The authoritative reference and input builder live on the scoring server;
editing this copy changes nothing except your own understanding.
"""

import jax, jax.numpy as jnp
import numpy as np

N_USERS = 100000
N_ITEMS = 1000000
EMBED = 32
REGS = 1e-05
B = 16384
L = 50


def setup_inputs(seed: int = 0) -> dict:
    key = jax.random.key(seed)
    k1, k2, k3, k4, k5, k6, k7 = jax.random.split(key, 7)
    user = jax.random.randint(k1, (B,), 0, N_USERS, dtype=jnp.int64 if jax.config.jax_enable_x64 else jnp.int32).astype(jnp.int32)
    items = jax.random.randint(k2, (B, L), 0, N_ITEMS).astype(jnp.int32)
    ids = jax.random.randint(k3, (B, 1), 0, L).astype(jnp.int32)
    reward = jax.random.uniform(k4, (B,), dtype=jnp.float32)
    # xavier_uniform bounds: sqrt(6/(fan_in+fan_out))
    bu = float(np.sqrt(6.0 / (N_USERS + EMBED)))
    bi = float(np.sqrt(6.0 / (N_ITEMS + EMBED)))
    user_embedding = jax.random.uniform(k5, (N_USERS, EMBED), dtype=jnp.float32, minval=-bu, maxval=bu)
    item_embedding = jax.random.uniform(k6, (N_ITEMS, EMBED), dtype=jnp.float32, minval=-bi, maxval=bi)
    bias = jnp.zeros((N_ITEMS,), dtype=jnp.float32)
    return {"user": user, "items": items, "ids": ids, "reward": reward,
            "user_embedding": user_embedding, "item_embedding": item_embedding, "bias": bias}


def _l2_loss(*tensors):
    return sum(0.5 * jnp.sum(t ** 2) for t in tensors)


def reference(user, items, ids, reward, user_embedding, item_embedding, bias):
    u_e = jnp.take(user_embedding, user, axis=0)          # [B, D]
    i_e = jnp.take(item_embedding, items, axis=0)         # [B, L, D]
    b = jnp.take(bias, items, axis=0)                     # [B, L]
    u_e = u_e[:, None, :]                                 # [B, 1, D]
    logits = jnp.sum(u_e * i_e, axis=2) + b               # [B, L]
    probs = jax.nn.softmax(logits, axis=1)
    regularizer = _l2_loss(u_e, i_e, b)
    reg_loss = REGS * regularizer
    batch_size = user.shape[0]
    row_ids = jnp.arange(batch_size)[:, None]             # [B, 1]
    good_prob = probs[row_ids, ids].squeeze()             # [B]
    gan_loss = -jnp.mean(jnp.log(good_prob) * reward)
    return (gan_loss, reg_loss)

if __name__ == "__main__":
    import jax
    _d = setup_inputs()
    print(jax.jit(kernel)(*tuple(_d.values())))

</pallas_src>

<mosaic_0001>
#map = affine_map<(d0, d1) -> (0)>
#map1 = affine_map<(d0, d1) -> (0, 0)>
module attributes {stable_mosaic.version = 14 : i64} {
  func.func @_sc_body(%arg0: i32, %arg1: i32, %arg2: memref<16384xi32, #tpu.memory_space<hbm>>, %arg3: memref<819200xi32, #tpu.memory_space<hbm>>, %arg4: memref<16384xi32, #tpu.memory_space<hbm>>, %arg5: memref<100000x32xf32, #tpu.memory_space<hbm>>, %arg6: memref<1000000x32xf32, #tpu.memory_space<hbm>>, %arg7: memref<16384xf32, #tpu.memory_space<hbm>>, %arg8: memref<512xf32, #tpu.memory_space<hbm>>, %arg9: memref<512xi32, #tpu.memory_space<vmem>>, %arg10: memref<512x32xf32, #tpu.memory_space<vmem>>, %arg11: memref<25600xi32, #tpu.memory_space<vmem>>, %arg12: memref<816x32xf32, #tpu.memory_space<vmem>>, %arg13: memref<816x32xf32, #tpu.memory_space<vmem>>, %arg14: memref<512xi32, #tpu.memory_space<vmem>>, %arg15: memref<1040xf32, #tpu.memory_space<vmem>>, %arg16: memref<512xf32, #tpu.memory_space<vmem>>, %arg17: memref<16xf32, #tpu.memory_space<vmem>>, %arg18: memref<!tpu.dma_semaphore, #tpu.memory_space<semaphore_mem>>, %arg19: memref<!tpu.dma_semaphore, #tpu.memory_space<semaphore_mem>>, %arg20: memref<!tpu.dma_semaphore, #tpu.memory_space<semaphore_mem>>) attributes {dimension_semantics = [#tpu.dimension_semantics<core_parallel>, #tpu.dimension_semantics<subcore_parallel>], iteration_bounds = array<i64: 2, 16>, scalar_prefetch = 0 : i64, scratch_operands = 12 : i64, tpu.core_type = #tpu.core_type<sc_vector_subcore>, window_params = [{transform_indices = #map}, {transform_indices = #map}, {transform_indices = #map}, {transform_indices = #map1}, {transform_indices = #map1}, {transform_indices = #map}, {transform_indices = #map}]} {
    %mul3A = arith.constant 2 : i32
    %mul3A_0 = arith.muli %arg1, %mul3A : i32
    %add3A = arith.addi %mul3A_0, %arg0 : i32
    %mul3A_1 = arith.constant 512 : i32
    %mul3A_2 = arith.muli %add3A, %mul3A_1 : i32
    %iota3A = tpu.iota {dimensions = array<i32: 0>} : vector<16xi32>
    %broadcast_in_dim3A = arith.constant 0.000000e+00 : f32
    %broadcast_in_dim3A_3 = vector.broadcast %broadcast_in_dim3A : f32 to vector<16xf32>
    %broadcast_in_dim3A_4 = arith.constant 0 : i32
    %broadcast_in_dim3A_5 = vector.broadcast %broadcast_in_dim3A_4 : i32 to vector<16xi32>
    %eq3A = arith.constant 0 : i32
    %eq3A_6 = vector.broadcast %eq3A : i32 to vector<16xi32>
    %eq3A_7 = arith.cmpi eq, %iota3A, %eq3A_6 : vector<16xi32>
    "tpu.region"() ({
      %run_scoped3A = tpu.sem_alloc : memref<!tpu.dma_semaphore, #tpu.memory_space<semaphore_mem>>
      %dma_start3A_184 = tpu.memref_slice %arg2[%mul3A_2] : memref<16384xi32, #tpu.memory_space<hbm>> -> memref<512xi32, #tpu.memory_space<hbm>>
      %dma_start3A_185 = tpu.memref_slice %arg2[%mul3A_2] : memref<16384xi32, #tpu.memory_space<hbm>> -> memref<512xi32, #tpu.memory_space<hbm>>
      tpu.enqueue_dma source(%dma_start3A_185 : memref<512xi32, #tpu.memory_space<hbm>>) target(%arg9 : memref<512xi32, #tpu.memory_space<vmem>>) target_semaphore(%run_scoped3A : memref<!tpu.dma_semaphore, #tpu.memory_space<semaphore_mem>>)
      %dma_wait3A_186 = tpu.memref_slice %arg2[%mul3A_2] : memref<16384xi32, #tpu.memory_space<hbm>> -> memref<512xi32, #tpu.memory_space<hbm>>
      %dma_wait3A_187 = tpu.memref_slice %arg2[%mul3A_2] : memref<16384xi32, #tpu.memory_space<hbm>> -> memref<512xi32, #tpu.memory_space<hbm>>
      tpu.wait_dma2 semaphore(%run_scoped3A : memref<!tpu.dma_semaphore, #tpu.memory_space<semaphore_mem>>) src(%dma_wait3A_187 : memref<512xi32, #tpu.memory_space<hbm>>) dst(%arg9 : memref<512xi32, #tpu.memory_space<vmem>>)
      tpu.yield
    }) : () -> ()
    "tpu.region"() ({
      %run_scoped3A = tpu.sem_alloc : memref<!tpu.dma_semaphore, #tpu.memory_space<semaphore_mem>>
      %dma_start3A_184 = tpu.memref_slice %arg4[%mul3A_2] : memref<16384xi32, #tpu.memory_space<hbm>> -> memref<512xi32, #tpu.memory_space<hbm>>
      %dma_start3A_185 = tpu.memref_slice %arg4[%mul3A_2] : memref<16384xi32, #tpu.memory_space<hbm>> -> memref<512xi32, #tpu.memory_space<hbm>>
      tpu.enqueue_dma source(%dma_start3A_185 : memref<512xi32, #tpu.memory_space<hbm>>) target(%arg14 : memref<512xi32, #tpu.memory_space<vmem>>) target_semaphore(%run_scoped3A : memref<!tpu.dma_semaphore, #tpu.memory_space<semaphore_mem>>)
      %dma_wait3A_186 = tpu.memref_slice %arg4[%mul3A_2] : memref<16384xi32, #tpu.memory_space<hbm>> -> memref<512xi32, #tpu.memory_space<hbm>>
      %dma_wait3A_187 = tpu.memref_slice %arg4[%mul3A_2] : memref<16384xi32, #tpu.memory_space<hbm>> -> memref<512xi32, #tpu.memory_space<hbm>>
      tpu.wait_dma2 semaphore(%run_scoped3A : memref<!tpu.dma_semaphore, #tpu.memory_space<semaphore_mem>>) src(%dma_wait3A_187 : memref<512xi32, #tpu.memory_space<hbm>>) dst(%arg14 : memref<512xi32, #tpu.memory_space<vmem>>)
      tpu.yield
    }) : () -> ()
    %mul3A_8 = arith.constant 50 : i32
    %mul3A_9 = arith.muli %mul3A_2, %mul3A_8 : i32
    "tpu.region"() ({
      %run_scoped3A = tpu.sem_alloc : memref<!tpu.dma_semaphore, #tpu.memory_space<semaphore_mem>>
      %dma_start3A_184 = tpu.memref_slice %arg3[%mul3A_9] : memref<819200xi32, #tpu.memory_space<hbm>> -> memref<25600xi32, #tpu.memory_space<hbm>>
      %dma_start3A_185 = tpu.memref_slice %arg3[%mul3A_9] : memref<819200xi32, #tpu.memory_space<hbm>> -> memref<25600xi32, #tpu.memory_space<hbm>>
      tpu.enqueue_dma source(%dma_start3A_185 : memref<25600xi32, #tpu.memory_space<hbm>>) target(%arg11 : memref<25600xi32, #tpu.memory_space<vmem>>) target_semaphore(%run_scoped3A : memref<!tpu.dma_semaphore, #tpu.memory_space<semaphore_mem>>)
      %dma_wait3A_186 = tpu.memref_slice %arg3[%mul3A_9] : memref<819200xi32, #tpu.memory_space<hbm>> -> memref<25600xi32, #tpu.memory_space<hbm>>
      %dma_wait3A_187 = tpu.memref_slice %arg3[%mul3A_9] : memref<819200xi32, #tpu.memory_space<hbm>> -> memref<25600xi32, #tpu.memory_space<hbm>>
      tpu.wait_dma2 semaphore(%run_scoped3A : memref<!tpu.dma_semaphore, #tpu.memory_space<semaphore_mem>>) src(%dma_wait3A_187 : memref<25600xi32, #tpu.memory_space<hbm>>) dst(%arg11 : memref<25600xi32, #tpu.memory_space<vmem>>)
      tpu.yield
    }) : () -> ()
    %dma_start3A = arith.constant 0 : i32
    %dma_start3A_10 = arith.constant 0 : i32
    %dma_start3A_11 = tpu.memref_slice %arg10[%dma_start3A, %dma_start3A_10] : memref<512x32xf32, #tpu.memory_space<vmem>> -> memref<128x32xf32, #tpu.memory_space<vmem>>
    %dma_start3A_12 = arith.constant 0 : i32
    %dma_start3A_13 = tpu.memref_slice %arg9[%dma_start3A_12] : memref<512xi32, #tpu.memory_space<vmem>> -> memref<128xi32, #tpu.memory_space<vmem>>
    %dma_start3A_14 = arith.constant 0 : i32
    %dma_start3A_15 = arith.constant 0 : i32
    %dma_start3A_16 = tpu.memref_slice %arg5[%dma_start3A_14, %dma_start3A_15] : memref<100000x32xf32, #tpu.memory_space<hbm>> -> memref<100000x32xf32, #tpu.memory_space<hbm>>
    tpu.enqueue_indirect_dma source(%dma_start3A_16 : memref<100000x32xf32, #tpu.memory_space<hbm>>) target(%dma_start3A_11 : memref<128x32xf32, #tpu.memory_space<vmem>>) offsets(%dma_start3A_13 : memref<128xi32, #tpu.memory_space<vmem>>) semaphore(%arg18 : memref<!tpu.dma_semaphore, #tpu.memory_space<semaphore_mem>>)
    %dma_start3A_17 = arith.constant 128 : i32
    %dma_start3A_18 = arith.constant 0 : i32
    %dma_start3A_19 = tpu.memref_slice %arg10[%dma_start3A_17, %dma_start3A_18] : memref<512x32xf32, #tpu.memory_space<vmem>> -> memref<128x32xf32, #tpu.memory_space<vmem>>
    %dma_start3A_20 = arith.constant 128 : i32
    %dma_start3A_21 = tpu.memref_slice %arg9[%dma_start3A_20] : memref<512xi32, #tpu.memory_space<vmem>> -> memref<128xi32, #tpu.memory_space<vmem>>
    %dma_start3A_22 = arith.constant 0 : i32
    %dma_start3A_23 = arith.constant 0 : i32
    %dma_start3A_24 = tpu.memref_slice %arg5[%dma_start3A_22, %dma_start3A_23] : memref<100000x32xf32, #tpu.memory_space<hbm>> -> memref<100000x32xf32, #tpu.memory_space<hbm>>
    tpu.enqueue_indirect_dma source(%dma_start3A_24 : memref<100000x32xf32, #tpu.memory_space<hbm>>) target(%dma_start3A_19 : memref<128x32xf32, #tpu.memory_space<vmem>>) offsets(%dma_start3A_21 : memref<128xi32, #tpu.memory_space<vmem>>) semaphore(%arg18 : memref<!tpu.dma_semaphore, #tpu.memory_space<semaphore_mem>>)
    %dma_start3A_25 = arith.constant 256 : i32
    %dma_start3A_26 = arith.constant 0 : i32
    %dma_start3A_27 = tpu.memref_slice %arg10[%dma_start3A_25, %dma_start3A_26] : memref<512x32xf32, #tpu.memory_space<vmem>> -> memref<128x32xf32, #tpu.memory_space<vmem>>
    %dma_start3A_28 = arith.constant 256 : i32
    %dma_start3A_29 = tpu.memref_slice %arg9[%dma_start3A_28] : memref<512xi32, #tpu.memory_space<vmem>> -> memref<128xi32, #tpu.memory_space<vmem>>
    %dma_start3A_30 = arith.constant 0 : i32
    %dma_start3A_31 = arith.constant 0 : i32
    %dma_start3A_32 = tpu.memref_slice %arg5[%dma_start3A_30, %dma_start3A_31] : memref<100000x32xf32, #tpu.memory_space<hbm>> -> memref<100000x32xf32, #tpu.memory_space<hbm>>
    tpu.enqueue_indirect_dma source(%dma_start3A_32 : memref<100000x32xf32, #tpu.memory_space<hbm>>) target(%dma_start3A_27 : memref<128x32xf32, #tpu.memory_space<vmem>>) offsets(%dma_start3A_29 : memref<128xi32, #tpu.memory_space<vmem>>) semaphore(%arg18 : memref<!tpu.dma_semaphore, #tpu.memory_space<semaphore_mem>>)
    %dma_start3A_33 = arith.constant 384 : i32
    %dma_start3A_34 = arith.constant 0 : i32
    %dma_start3A_35 = tpu.memref_slice %arg10[%dma_start3A_33, %dma_start3A_34] : memref<512x32xf32, #tpu.memory_space<vmem>> -> memref<128x32xf32, #tpu.memory_space<vmem>>
    %dma_start3A_36 = arith.constant 384 : i32
    %dma_start3A_37 = tpu.memref_slice %arg9[%dma_start3A_36] : memref<512xi32, #tpu.memory_space<vmem>> -> memref<128xi32, #tpu.memory_space<vmem>>
    %dma_start3A_38 = arith.constant 0 : i32
    %dma_start3A_39 = arith.constant 0 : i32
    %dma_start3A_40 = tpu.memref_slice %arg5[%dma_start3A_38, %dma_start3A_39] : memref<100000x32xf32, #tpu.memory_space<hbm>> -> memref<100000x32xf32, #tpu.memory_space<hbm>>
    tpu.enqueue_indirect_dma source(%dma_start3A_40 : memref<100000x32xf32, #tpu.memory_space<hbm>>) target(%dma_start3A_35 : memref<128x32xf32, #tpu.memory_space<vmem>>) offsets(%dma_start3A_37 : memref<128xi32, #tpu.memory_space<vmem>>) semaphore(%arg18 : memref<!tpu.dma_semaphore, #tpu.memory_space<semaphore_mem>>)
    %multiple_of3A = arith.constant 0 : i32
    %multiple_of3A_41 = tpu.assume_multiple %multiple_of3A, 32 : i32
    %dma_start3A_42 = arith.constant 0 : i32
    %dma_start3A_43 = arith.constant 0 : i32
    %dma_start3A_44 = tpu.memref_slice %arg12[%dma_start3A_42, %dma_start3A_43] : memref<816x32xf32, #tpu.memory_space<vmem>> -> memref<128x32xf32, #tpu.memory_space<vmem>>
    %dma_start3A_45 = tpu.memref_slice %arg11[%multiple_of3A_41] : memref<25600xi32, #tpu.memory_space<vmem>> -> memref<128xi32, #tpu.memory_space<vmem>>
    %dma_start3A_46 = arith.constant 0 : i32
    %dma_start3A_47 = arith.constant 0 : i32
    %dma_start3A_48 = tpu.memref_slice %arg6[%dma_start3A_46, %dma_start3A_47] : memref<1000000x32xf32, #tpu.memory_space<hbm>> -> memref<1000000x32xf32, #tpu.memory_space<hbm>>
    tpu.enqueue_indirect_dma source(%dma_start3A_48 : memref<1000000x32xf32, #tpu.memory_space<hbm>>) target(%dma_start3A_44 : memref<128x32xf32, #tpu.memory_space<vmem>>) offsets(%dma_start3A_45 : memref<128xi32, #tpu.memory_space<vmem>>) semaphore(%arg19 : memref<!tpu.dma_semaphore, #tpu.memory_space<semaphore_mem>>)
    %multiple_of3A_49 = arith.constant 128 : i32
    %multiple_of3A_50 = tpu.assume_multiple %multiple_of3A_49, 32 : i32
    %dma_start3A_51 = arith.constant 128 : i32
    %dma_start3A_52 = arith.constant 0 : i32
    %dma_start3A_53 = tpu.memref_slice %arg12[%dma_start3A_51, %dma_start3A_52] : memref<816x32xf32, #tpu.memory_space<vmem>> -> memref<128x32xf32, #tpu.memory_space<vmem>>
    %dma_start3A_54 = tpu.memref_slice %arg11[%multiple_of3A_50] : memref<25600xi32, #tpu.memory_space<vmem>> -> memref<128xi32, #tpu.memory_space<vmem>>
    %dma_start3A_55 = arith.constant 0 : i32
    %dma_start3A_56 = arith.constant 0 : i32
    %dma_start3A_57 = tpu.memref_slice %arg6[%dma_start3A_55, %dma_start3A_56] : memref<1000000x32xf32, #tpu.memory_space<hbm>> -> memref<1000000x32xf32, #tpu.memory_space<hbm>>
    tpu.enqueue_indirect_dma source(%dma_start3A_57 : memref<1000000x32xf32, #tpu.memory_space<hbm>>) target(%dma_start3A_53 : memref<128x32xf32, #tpu.memory_space<vmem>>) offsets(%dma_start3A_54 : memref<128xi32, #tpu.memory_space<vmem>>) semaphore(%arg19 : memref<!tpu.dma_semaphore, #tpu.memory_space<semaphore_mem>>)
    %multiple_of3A_58 = arith.constant 256 : i32
    %multiple_of3A_59 = tpu.assume_multiple %multiple_of3A_58, 32 : i32
    %dma_start3A_60 = arith.constant 256 : i32
    %dma_start3A_61 = arith.constant 0 : i32
    %dma_start3A_62 = tpu.memref_slice %arg12[%dma_start3A_60, %dma_start3A_61] : memref<816x32xf32, #tpu.memory_space<vmem>> -> memref<128x32xf32, #tpu.memory_space<vmem>>
    %dma_start3A_63 = tpu.memref_slice %arg11[%multiple_of3A_59] : memref<25600xi32, #tpu.memory_space<vmem>> -> memref<128xi32, #tpu.memory_space<vmem>>
    %dma_start3A_64 = arith.constant 0 : i32
    %dma_start3A_65 = arith.constant 0 : i32
    %dma_start3A_66 = tpu.memref_slice %arg6[%dma_start3A_64, %dma_start3A_65] : memref<1000000x32xf32, #tpu.memory_space<hbm>> -> memref<1000000x32xf32, #tpu.memory_space<hbm>>
    tpu.enqueue_indirect_dma source(%dma_start3A_66 : memref<1000000x32xf32, #tpu.memory_space<hbm>>) target(%dma_start3A_62 : memref<128x32xf32, #tpu.memory_space<vmem>>) offsets(%dma_start3A_63 : memref<128xi32, #tpu.memory_space<vmem>>) semaphore(%arg19 : memref<!tpu.dma_semaphore, #tpu.memory_space<semaphore_mem>>)
    %multiple_of3A_67 = arith.constant 384 : i32
    %multiple_of3A_68 = tpu.assume_multiple %multiple_of3A_67, 32 : i32
    %dma_start3A_69 = arith.constant 384 : i32
    %dma_start3A_70 = arith.constant 0 : i32
    %dma_start3A_71 = tpu.memref_slice %arg12[%dma_start3A_69, %dma_start3A_70] : memref<816x32xf32, #tpu.memory_space<vmem>> -> memref<128x32xf32, #tpu.memory_space<vmem>>
    %dma_start3A_72 = tpu.memref_slice %arg11[%multiple_of3A_68] : memref<25600xi32, #tpu.memory_space<vmem>> -> memref<128xi32, #tpu.memory_space<vmem>>
    %dma_start3A_73 = arith.constant 0 : i32
    %dma_start3A_74 = arith.constant 0 : i32
    %dma_start3A_75 = tpu.memref_slice %arg6[%dma_start3A_73, %dma_start3A_74] : memref<1000000x32xf32, #tpu.memory_space<hbm>> -> memref<1000000x32xf32, #tpu.memory_space<hbm>>
    tpu.enqueue_indirect_dma source(%dma_start3A_75 : memref<1000000x32xf32, #tpu.memory_space<hbm>>) target(%dma_start3A_71 : memref<128x32xf32, #tpu.memory_space<vmem>>) offsets(%dma_start3A_72 : memref<128xi32, #tpu.memory_space<vmem>>) semaphore(%arg19 : memref<!tpu.dma_semaphore, #tpu.memory_space<semaphore_mem>>)
    %multiple_of3A_76 = arith.constant 512 : i32
    %multiple_of3A_77 = tpu.assume_multiple %multiple_of3A_76, 32 : i32
    %dma_start3A_78 = arith.constant 512 : i32
    %dma_start3A_79 = arith.constant 0 : i32
    %dma_start3A_80 = tpu.memref_slice %arg12[%dma_start3A_78, %dma_start3A_79] : memref<816x32xf32, #tpu.memory_space<vmem>> -> memref<128x32xf32, #tpu.memory_space<vmem>>
    %dma_start3A_81 = tpu.memref_slice %arg11[%multiple_of3A_77] : memref<25600xi32, #tpu.memory_space<vmem>> -> memref<128xi32, #tpu.memory_space<vmem>>
    %dma_start3A_82 = arith.constant 0 : i32
    %dma_start3A_83 = arith.constant 0 : i32
    %dma_start3A_84 = tpu.memref_slice %arg6[%dma_start3A_82, %dma_start3A_83] : memref<1000000x32xf32, #tpu.memory_space<hbm>> -> memref<1000000x32xf32, #tpu.memory_space<hbm>>
    tpu.enqueue_indirect_dma source(%dma_start3A_84 : memref<1000000x32xf32, #tpu.memory_space<hbm>>) target(%dma_start3A_80 : memref<128x32xf32, #tpu.memory_space<vmem>>) offsets(%dma_start3A_81 : memref<128xi32, #tpu.memory_space<vmem>>) semaphore(%arg19 : memref<!tpu.dma_semaphore, #tpu.memory_space<semaphore_mem>>)
    %multiple_of3A_85 = arith.constant 640 : i32
    %multiple_of3A_86 = tpu.assume_multiple %multiple_of3A_85, 32 : i32
    %dma_start3A_87 = arith.constant 640 : i32
    %dma_start3A_88 = arith.constant 0 : i32
    %dma_start3A_89 = tpu.memref_slice %arg12[%dma_start3A_87, %dma_start3A_88] : memref<816x32xf32, #tpu.memory_space<vmem>> -> memref<128x32xf32, #tpu.memory_space<vmem>>
    %dma_start3A_90 = tpu.memref_slice %arg11[%multiple_of3A_86] : memref<25600xi32, #tpu.memory_space<vmem>> -> memref<128xi32, #tpu.memory_space<vmem>>
    %dma_start3A_91 = arith.constant 0 : i32
    %dma_start3A_92 = arith.constant 0 : i32
    %dma_start3A_93 = tpu.memref_slice %arg6[%dma_start3A_91, %dma_start3A_92] : memref<1000000x32xf32, #tpu.memory_space<hbm>> -> memref<1000000x32xf32, #tpu.memory_space<hbm>>
    tpu.enqueue_indirect_dma source(%dma_start3A_93 : memref<1000000x32xf32, #tpu.memory_space<hbm>>) target(%dma_start3A_89 : memref<128x32xf32, #tpu.memory_space<vmem>>) offsets(%dma_start3A_90 : memref<128xi32, #tpu.memory_space<vmem>>) semaphore(%arg19 : memref<!tpu.dma_semaphore, #tpu.memory_space<semaphore_mem>>)
    %multiple_of3A_94 = arith.constant 768 : i32
    %multiple_of3A_95 = tpu.assume_multiple %multiple_of3A_94, 32 : i32
    %dma_start3A_96 = arith.constant 768 : i32
    %dma_start3A_97 = arith.constant 0 : i32
    %dma_start3A_98 = tpu.memref_slice %arg12[%dma_start3A_96, %dma_start3A_97] : memref<816x32xf32, #tpu.memory_space<vmem>> -> memref<32x32xf32, #tpu.memory_space<vmem>>
    %dma_start3A_99 = tpu.memref_slice %arg11[%multiple_of3A_95] : memref<25600xi32, #tpu.memory_space<vmem>> -> memref<32xi32, #tpu.memory_space<vmem>>
    %dma_start3A_100 = arith.constant 0 : i32
    %dma_start3A_101 = arith.constant 0 : i32
    %dma_start3A_102 = tpu.memref_slice %arg6[%dma_start3A_100, %dma_start3A_101] : memref<1000000x32xf32, #tpu.memory_space<hbm>> -> memref<1000000x32xf32, #tpu.memory_space<hbm>>
    tpu.enqueue_indirect_dma source(%dma_start3A_102 : memref<1000000x32xf32, #tpu.memory_space<hbm>>) target(%dma_start3A_98 : memref<32x32xf32, #tpu.memory_space<vmem>>) offsets(%dma_start3A_99 : memref<32xi32, #tpu.memory_space<vmem>>) semaphore(%arg19 : memref<!tpu.dma_semaphore, #tpu.memory_space<semaphore_mem>>)
    %multiple_of3A_103 = arith.constant 800 : i32
    %multiple_of3A_104 = tpu.assume_multiple %multiple_of3A_103, 32 : i32
    %dma_start3A_105 = arith.constant 0 : i32
    %dma_start3A_106 = arith.constant 0 : i32
    %dma_start3A_107 = tpu.memref_slice %arg13[%dma_start3A_105, %dma_start3A_106] : memref<816x32xf32, #tpu.memory_space<vmem>> -> memref<128x32xf32, #tpu.memory_space<vmem>>
    %dma_start3A_108 = tpu.memref_slice %arg11[%multiple_of3A_104] : memref<25600xi32, #tpu.memory_space<vmem>> -> memref<128xi32, #tpu.memory_space<vmem>>
    %dma_start3A_109 = arith.constant 0 : i32
    %dma_start3A_110 = arith.constant 0 : i32
    %dma_start3A_111 = tpu.memref_slice %arg6[%dma_start3A_109, %dma_start3A_110] : memref<1000000x32xf32, #tpu.memory_space<hbm>> -> memref<1000000x32xf32, #tpu.memory_space<hbm>>
    tpu.enqueue_indirect_dma source(%dma_start3A_111 : memref<1000000x32xf32, #tpu.memory_space<hbm>>) target(%dma_start3A_107 : memref<128x32xf32, #tpu.memory_space<vmem>>) offsets(%dma_start3A_108 : memref<128xi32, #tpu.memory_space<vmem>>) semaphore(%arg20 : memref<!tpu.dma_semaphore, #tpu.memory_space<semaphore_mem>>)
    %multiple_of3A_112 = arith.constant 928 : i32
    %multiple_of3A_113 = tpu.assume_multiple %multiple_of3A_112, 32 : i32
    %dma_start3A_114 = arith.constant 128 : i32
    %dma_start3A_115 = arith.constant 0 : i32
    %dma_start3A_116 = tpu.memref_slice %arg13[%dma_start3A_114, %dma_start3A_115] : memref<816x32xf32, #tpu.memory_space<vmem>> -> memref<128x32xf32, #tpu.memory_space<vmem>>
    %dma_start3A_117 = tpu.memref_slice %arg11[%multiple_of3A_113] : memref<25600xi32, #tpu.memory_space<vmem>> -> memref<128xi32, #tpu.memory_space<vmem>>
    %dma_start3A_118 = arith.constant 0 : i32
    %dma_start3A_119 = arith.constant 0 : i32
    %dma_start3A_120 = tpu.memref_slice %arg6[%dma_start3A_118, %dma_start3A_119] : memref<1000000x32xf32, #tpu.memory_space<hbm>> -> memref<1000000x32xf32, #tpu.memory_space<hbm>>
    tpu.enqueue_indirect_dma source(%dma_start3A_120 : memref<1000000x32xf32, #tpu.memory_space<hbm>>) target(%dma_start3A_116 : memref<128x32xf32, #tpu.memory_space<vmem>>) offsets(%dma_start3A_117 : memref<128xi32, #tpu.memory_space<vmem>>) semaphore(%arg20 : memref<!tpu.dma_semaphore, #tpu.memory_space<semaphore_mem>>)
    %multiple_of3A_121 = arith.constant 1056 : i32
    %multiple_of3A_122 = tpu.assume_multiple %multiple_of3A_121, 32 : i32
    %dma_start3A_123 = arith.constant 256 : i32
    %dma_start3A_124 = arith.constant 0 : i32
    %dma_start3A_125 = tpu.memref_slice %arg13[%dma_start3A_123, %dma_start3A_124] : memref<816x32xf32, #tpu.memory_space<vmem>> -> memref<128x32xf32, #tpu.memory_space<vmem>>
    %dma_start3A_126 = tpu.memref_slice %arg11[%multiple_of3A_122] : memref<25600xi32, #tpu.memory_space<vmem>> -> memref<128xi32, #tpu.memory_space<vmem>>
    %dma_start3A_127 = arith.constant 0 : i32
    %dma_start3A_128 = arith.constant 0 : i32
    %dma_start3A_129 = tpu.memref_slice %arg6[%dma_start3A_127, %dma_start3A_128] : memref<1000000x32xf32, #tpu.memory_space<hbm>> -> memref<1000000x32xf32, #tpu.memory_space<hbm>>
    tpu.enqueue_indirect_dma source(%dma_start3A_129 : memref<1000000x32xf32, #tpu.memory_space<hbm>>) target(%dma_start3A_125 : memref<128x32xf32, #tpu.memory_space<vmem>>) offsets(%dma_start3A_126 : memref<128xi32, #tpu.memory_space<vmem>>) semaphore(%arg20 : memref<!tpu.dma_semaphore, #tpu.memory_space<semaphore_mem>>)
    %multiple_of3A_130 = arith.constant 1184 : i32
    %multiple_of3A_131 = tpu.assume_multiple %multiple_of3A_130, 32 : i32
    %dma_start3A_132 = arith.constant 384 : i32
    %dma_start3A_133 = arith.constant 0 : i32
    %dma_start3A_134 = tpu.memref_slice %arg13[%dma_start3A_132, %dma_start3A_133] : memref<816x32xf32, #tpu.memory_space<vmem>> -> memref<128x32xf32, #tpu.memory_space<vmem>>
    %dma_start3A_135 = tpu.memref_slice %arg11[%multiple_of3A_131] : memref<25600xi32, #tpu.memory_space<vmem>> -> memref<128xi32, #tpu.memory_space<vmem>>
    %dma_start3A_136 = arith.constant 0 : i32
    %dma_start3A_137 = arith.constant 0 : i32
    %dma_start3A_138 = tpu.memref_slice %arg6[%dma_start3A_136, %dma_start3A_137] : memref<1000000x32xf32, #tpu.memory_space<hbm>> -> memref<1000000x32xf32, #tpu.memory_space<hbm>>
    tpu.enqueue_indirect_dma source(%dma_start3A_138 : memref<1000000x32xf32, #tpu.memory_space<hbm>>) target(%dma_start3A_134 : memref<128x32xf32, #tpu.memory_space<vmem>>) offsets(%dma_start3A_135 : memref<128xi32, #tpu.memory_space<vmem>>) semaphore(%arg20 : memref<!tpu.dma_semaphore, #tpu.memory_space<semaphore_mem>>)
    %multiple_of3A_139 = arith.constant 1312 : i32
    %multiple_of3A_140 = tpu.assume_multiple %multiple_of3A_139, 32 : i32
    %dma_start3A_141 = arith.constant 512 : i32
    %dma_start3A_142 = arith.constant 0 : i32
    %dma_start3A_143 = tpu.memref_slice %arg13[%dma_start3A_141, %dma_start3A_142] : memref<816x32xf32, #tpu.memory_space<vmem>> -> memref<128x32xf32, #tpu.memory_space<vmem>>
    %dma_start3A_144 = tpu.memref_slice %arg11[%multiple_of3A_140] : memref<25600xi32, #tpu.memory_space<vmem>> -> memref<128xi32, #tpu.memory_space<vmem>>
    %dma_start3A_145 = arith.constant 0 : i32
    %dma_start3A_146 = arith.constant 0 : i32
    %dma_start3A_147 = tpu.memref_slice %arg6[%dma_start3A_145, %dma_start3A_146] : memref<1000000x32xf32, #tpu.memory_space<hbm>> -> memref<1000000x32xf32, #tpu.memory_space<hbm>>
    tpu.enqueue_indirect_dma source(%dma_start3A_147 : memref<1000000x32xf32, #tpu.memory_space<hbm>>) target(%dma_start3A_143 : memref<128x32xf32, #tpu.memory_space<vmem>>) offsets(%dma_start3A_144 : memref<128xi32, #tpu.memory_space<vmem>>) semaphore(%arg20 : memref<!tpu.dma_semaphore, #tpu.memory_space<semaphore_mem>>)
    %multiple_of3A_148 = arith.constant 1440 : i32
    %multiple_of3A_149 = tpu.assume_multiple %multiple_of3A_148, 32 : i32
    %dma_start3A_150 = arith.constant 640 : i32
    %dma_start3A_151 = arith.constant 0 : i32
    %dma_start3A_152 = tpu.memref_slice %arg13[%dma_start3A_150, %dma_start3A_151] : memref<816x32xf32, #tpu.memory_space<vmem>> -> memref<128x32xf32, #tpu.memory_space<vmem>>
    %dma_start3A_153 = tpu.memref_slice %arg11[%multiple_of3A_149] : memref<25600xi32, #tpu.memory_space<vmem>> -> memref<128xi32, #tpu.memory_space<vmem>>
    %dma_start3A_154 = arith.constant 0 : i32
    %dma_start3A_155 = arith.constant 0 : i32
    %dma_start3A_156 = tpu.memref_slice %arg6[%dma_start3A_154, %dma_start3A_155] : memref<1000000x32xf32, #tpu.memory_space<hbm>> -> memref<1000000x32xf32, #tpu.memory_space<hbm>>
    tpu.enqueue_indirect_dma source(%dma_start3A_156 : memref<1000000x32xf32, #tpu.memory_space<hbm>>) target(%dma_start3A_152 : memref<128x32xf32, #tpu.memory_space<vmem>>) offsets(%dma_start3A_153 : memref<128xi32, #tpu.memory_space<vmem>>) semaphore(%arg20 : memref<!tpu.dma_semaphore, #tpu.memory_space<semaphore_mem>>)
    %multiple_of3A_157 = arith.constant 1568 : i32
    %multiple_of3A_158 = tpu.assume_multiple %multiple_of3A_157, 32 : i32
    %dma_start3A_159 = arith.constant 768 : i32
    %dma_start3A_160 = arith.constant 0 : i32
    %dma_start3A_161 = tpu.memref_slice %arg13[%dma_start3A_159, %dma_start3A_160] : memref<816x32xf32, #tpu.memory_space<vmem>> -> memref<32x32xf32, #tpu.memory_space<vmem>>
    %dma_start3A_162 = tpu.memref_slice %arg11[%multiple_of3A_158] : memref<25600xi32, #tpu.memory_space<vmem>> -> memref<32xi32, #tpu.memory_space<vmem>>
    %dma_start3A_163 = arith.constant 0 : i32
    %dma_start3A_164 = arith.constant 0 : i32
    %dma_start3A_165 = tpu.memref_slice %arg6[%dma_start3A_163, %dma_start3A_164] : memref<1000000x32xf32, #tpu.memory_space<hbm>> -> memref<1000000x32xf32, #tpu.memory_space<hbm>>
    tpu.enqueue_indirect_dma source(%dma_start3A_165 : memref<1000000x32xf32, #tpu.memory_space<hbm>>) target(%dma_start3A_161 : memref<32x32xf32, #tpu.memory_space<vmem>>) offsets(%dma_start3A_162 : memref<32xi32, #tpu.memory_space<vmem>>) semaphore(%arg20 : memref<!tpu.dma_semaphore, #tpu.memory_space<semaphore_mem>>)
    %dma_wait3A = arith.constant 0 : i32
    %dma_wait3A_166 = arith.constant 0 : i32
    %dma_wait3A_167 = tpu.memref_slice %arg5[%dma_wait3A, %dma_wait3A_166] : memref<100000x32xf32, #tpu.memory_space<hbm>> -> memref<512x32xf32, #tpu.memory_space<hbm>>
    %dma_wait3A_168 = arith.constant 0 : i32
    %dma_wait3A_169 = arith.constant 0 : i32
    %dma_wait3A_170 = tpu.memref_slice %arg5[%dma_wait3A_168, %dma_wait3A_169] : memref<100000x32xf32, #tpu.memory_space<hbm>> -> memref<512x32xf32, #tpu.memory_space<hbm>>
    tpu.wait_dma2 semaphore(%arg18 : memref<!tpu.dma_semaphore, #tpu.memory_space<semaphore_mem>>) src(%dma_wait3A_170 : memref<512x32xf32, #tpu.memory_space<hbm>>) dst(%arg10 : memref<512x32xf32, #tpu.memory_space<vmem>>)
    %lt3A = arith.constant 2 : i32
    %lt3A_171 = vector.broadcast %lt3A : i32 to vector<16xi32>
    %lt3A_172 = arith.cmpi slt, %iota3A, %lt3A_171 : vector<16xi32>
    %scan3A = arith.constant 0 : i32
    %scan3A_173 = arith.constant 16 : i32
    %scan3A_174 = arith.addi %scan3A, %scan3A_173 : i32
    %scan3A_175 = arith.constant 1 : i32
    %scan3A_176:2 = scf.for %scan3A_184 = %scan3A to %scan3A_174 step %scan3A_175 iter_args(%scan3A_185 = %broadcast_in_dim3A_3, %scan3A_186 = %broadcast_in_dim3A_3) -> (vector<16xf32>, vector<16xf32>)  : i32 {
      %mul3A_187 = arith.constant 2 : i32
      %mul3A_188 = arith.muli %mul3A_187, %scan3A_184 : i32
      %dma_wait3A_189 = arith.constant 0 : i32
      %dma_wait3A_190 = arith.constant 0 : i32
      %dma_wait3A_191 = tpu.memref_slice %arg12[%dma_wait3A_189, %dma_wait3A_190] : memref<816x32xf32, #tpu.memory_space<vmem>> -> memref<800x32xf32, #tpu.memory_space<vmem>>
      %dma_wait3A_192 = arith.constant 0 : i32
      %dma_wait3A_193 = arith.constant 0 : i32
      %dma_wait3A_194 = tpu.memref_slice %arg6[%dma_wait3A_192, %dma_wait3A_193] : memref<1000000x32xf32, #tpu.memory_space<hbm>> -> memref<800x32xf32, #tpu.memory_space<hbm>>
      %dma_wait3A_195 = arith.constant 0 : i32
      %dma_wait3A_196 = arith.constant 0 : i32
      %dma_wait3A_197 = tpu.memref_slice %arg12[%dma_wait3A_195, %dma_wait3A_196] : memref<816x32xf32, #tpu.memory_space<vmem>> -> memref<800x32xf32, #tpu.memory_space<vmem>>
      %dma_wait3A_198 = arith.constant 0 : i32
      %dma_wait3A_199 = arith.constant 0 : i32
      %dma_wait3A_200 = tpu.memref_slice %arg6[%dma_wait3A_198, %dma_wait3A_199] : memref<1000000x32xf32, #tpu.memory_space<hbm>> -> memref<800x32xf32, #tpu.memory_space<hbm>>
      tpu.wait_dma2 semaphore(%arg19 : memref<!tpu.dma_semaphore, #tpu.memory_space<semaphore_mem>>) src(%dma_wait3A_200 : memref<800x32xf32, #tpu.memory_space<hbm>>) dst(%dma_wait3A_197 : memref<800x32xf32, #tpu.memory_space<vmem>>)
      %scan3A_201 = arith.constant 0 : i32
      %scan3A_202 = arith.constant 16 : i32
      %scan3A_203 = arith.addi %scan3A_201, %scan3A_202 : i32
      %scan3A_204 = arith.constant 1 : i32
      %scan3A_205:2 = scf.for %scan3A_351 = %scan3A_201 to %scan3A_203 step %scan3A_204 iter_args(%scan3A_352 = %scan3A_185, %scan3A_353 = %scan3A_186) -> (vector<16xf32>, vector<16xf32>)  : i32 {
        %mul3A_354 = arith.constant 16 : i32
        %mul3A_355 = arith.muli %mul3A_188, %mul3A_354 : i32
        %add3A_356 = arith.addi %mul3A_355, %scan3A_351 : i32
        %get3A_357 = arith.index_cast %add3A_356 : i32 to index
        %get3A_358 = arith.constant 0 : index
        %get3A_359 = tpu.vector_load %arg10[%get3A_357, %get3A_358] {strides = array<i32>} : memref<512x32xf32, #tpu.memory_space<vmem>>, vector<16xf32>,
        %get3A_360 = arith.index_cast %add3A_356 : i32 to index
        %get3A_361 = arith.constant 16 : index
        %get3A_362 = tpu.vector_load %arg10[%get3A_360, %get3A_361] {strides = array<i32>} : memref<512x32xf32, #tpu.memory_space<vmem>>, vector<16xf32>,
        %mul3A_363 = arith.mulf %get3A_359, %get3A_359 : vector<16xf32>
        %add3A_364 = arith.addf %scan3A_352, %mul3A_363 : vector<16xf32>
        %mul3A_365 = arith.mulf %get3A_362, %get3A_362 : vector<16xf32>
        %add3A_366 = arith.addf %scan3A_353, %mul3A_365 : vector<16xf32>
        %mul3A_367 = arith.constant 50 : i32
        %mul3A_368 = arith.muli %scan3A_351, %mul3A_367 : i32
        %mul3A_369 = arith.constant 65 : i32
        %mul3A_370 = arith.muli %scan3A_351, %mul3A_369 : i32
        %add3A_371 = vector.broadcast %add3A_356 : i32 to vector<16xi32>
        %add3A_372 = arith.addi %broadcast_in_dim3A_5, %add3A_371 : vector<16xi32>
        %scan3A_373 = arith.constant 0 : i32
        %scan3A_374 = arith.constant 32 : i32
        %scan3A_375 = arith.addi %scan3A_373, %scan3A_374 : i32
        %scan3A_376 = arith.constant 4 : i32
        %scan3A_377:8 = scf.for %scan3A_397 = %scan3A_373 to %scan3A_375 step %scan3A_376 iter_args(%scan3A_398 = %broadcast_in_dim3A_3, %scan3A_399 = %broadcast_in_dim3A_3, %scan3A_400 = %broadcast_in_dim3A_3, %scan3A_401 = %broadcast_in_dim3A_3, %scan3A_402 = %broadcast_in_dim3A_3, %scan3A_403 = %broadcast_in_dim3A_3, %scan3A_404 = %broadcast_in_dim3A_3, %scan3A_405 = %broadcast_in_dim3A_3) -> (vector<16xf32>, vector<16xf32>, vector<16xf32>, vector<16xf32>, vector<16xf32>, vector<16xf32>, vector<16xf32>, vector<16xf32>)  : i32 {
          %add3A_406 = vector.broadcast %scan3A_397 : i32 to vector<16xi32>
          %add3A_407 = arith.addi %iota3A, %add3A_406 : vector<16xi32>
          %and3A = arith.constant 31 : i32
          %and3A_408 = vector.broadcast %and3A : i32 to vector<16xi32>
          %and3A_409 = arith.andi %add3A_407, %and3A_408 : vector<16xi32>
          %gather3A_410 = tpu.vector_load_idx %arg10[%add3A_372, %and3A_409] : memref<512x32xf32, #tpu.memory_space<vmem>>[vector<16xi32>, vector<16xi32>], vector<16xf32>,
          %add3A_411 = vector.broadcast %mul3A_368 : i32 to vector<16xi32>
          %add3A_412 = arith.addi %add3A_411, %iota3A : vector<16xi32>
          %gather3A_413 = tpu.vector_load_idx %arg12[%add3A_412, %and3A_409] : memref<816x32xf32, #tpu.memory_space<vmem>>[vector<16xi32>, vector<16xi32>], vector<16xf32>,
          %add3A_414 = arith.constant 16 : i32
          %add3A_415 = arith.addi %mul3A_368, %add3A_414 : i32
          %add3A_416 = vector.broadcast %add3A_415 : i32 to vector<16xi32>
          %add3A_417 = arith.addi %add3A_416, %iota3A : vector<16xi32>
          %gather3A_418 = tpu.vector_load_idx %arg12[%add3A_417, %and3A_409] : memref<816x32xf32, #tpu.memory_space<vmem>>[vector<16xi32>, vector<16xi32>], vector<16xf32>,
          %add3A_419 = arith.constant 32 : i32
          %add3A_420 = arith.addi %mul3A_368, %add3A_419 : i32
          %add3A_421 = vector.broadcast %add3A_420 : i32 to vector<16xi32>
          %add3A_422 = arith.addi %add3A_421, %iota3A : vector<16xi32>
          %gather3A_423 = tpu.vector_load_idx %arg12[%add3A_422, %and3A_409] : memref<816x32xf32, #tpu.memory_space<vmem>>[vector<16xi32>, vector<16xi32>], vector<16xf32>,
          %add3A_424 = arith.constant 48 : i32
          %add3A_425 = arith.addi %mul3A_368, %add3A_424 : i32
          %add3A_426 = vector.broadcast %add3A_425 : i32 to vector<16xi32>
          %add3A_427 = arith.addi %add3A_426, %iota3A : vector<16xi32>
          %gather3A_428 = tpu.vector_load_idx %arg12[%add3A_427, %and3A_409] : memref<816x32xf32, #tpu.memory_space<vmem>>[vector<16xi32>, vector<16xi32>], vector<16xf32>,
          %jit3A = arith.constant 0.000000e+00 : f32
          %broadcast_in_dim3A_429 = vector.broadcast %jit3A : f32 to vector<16xf32>
          %select_n3A = arith.select %lt3A_172, %gather3A_428, %broadcast_in_dim3A_429 : vector<16xi1>, vector<16xf32>
          %mul3A_430 = arith.mulf %gather3A_410, %gather3A_413 : vector<16xf32>
          %add3A_431 = arith.addf %scan3A_398, %mul3A_430 : vector<16xf32>
          %mul3A_432 = arith.mulf %gather3A_410, %gather3A_418 : vector<16xf32>
          %add3A_433 = arith.addf %scan3A_399, %mul3A_432 : vector<16xf32>
          %mul3A_434 = arith.mulf %gather3A_410, %gather3A_423 : vector<16xf32>
          %add3A_435 = arith.addf %scan3A_400, %mul3A_434 : vector<16xf32>
          %mul3A_436 = arith.mulf %gather3A_410, %select_n3A : vector<16xf32>
          %add3A_437 = arith.addf %scan3A_401, %mul3A_436 : vector<16xf32>
          %mul3A_438 = arith.mulf %gather3A_413, %gather3A_413 : vector<16xf32>
          %add3A_439 = arith.addf %scan3A_402, %mul3A_438 : vector<16xf32>
          %mul3A_440 = arith.mulf %gather3A_418, %gather3A_418 : vector<16xf32>
          %add3A_441 = arith.addf %scan3A_403, %mul3A_440 : vector<16xf32>
          %mul3A_442 = arith.mulf %gather3A_423, %gather3A_423 : vector<16xf32>
          %add3A_443 = arith.addf %scan3A_404, %mul3A_442 : vector<16xf32>
          %mul3A_444 = arith.mulf %select_n3A, %select_n3A : vector<16xf32>
          %add3A_445 = arith.addf %scan3A_405, %mul3A_444 : vector<16xf32>
          %scan3A_446 = arith.constant 1 : i32
          %scan3A_447 = arith.addi %scan3A_397, %scan3A_446 : i32
          %add3A_448 = vector.broadcast %scan3A_447 : i32 to vector<16xi32>
          %add3A_449 = arith.addi %iota3A, %add3A_448 : vector<16xi32>
          %and3A_450 = arith.constant 31 : i32
          %and3A_451 = vector.broadcast %and3A_450 : i32 to vector<16xi32>
          %and3A_452 = arith.andi %add3A_449, %and3A_451 : vector<16xi32>
          %gather3A_453 = tpu.vector_load_idx %arg10[%add3A_372, %and3A_452] : memref<512x32xf32, #tpu.memory_space<vmem>>[vector<16xi32>, vector<16xi32>], vector<16xf32>,
          %add3A_454 = vector.broadcast %mul3A_368 : i32 to vector<16xi32>
          %add3A_455 = arith.addi %add3A_454, %iota3A : vector<16xi32>
          %gather3A_456 = tpu.vector_load_idx %arg12[%add3A_455, %and3A_452] : memref<816x32xf32, #tpu.memory_space<vmem>>[vector<16xi32>, vector<16xi32>], vector<16xf32>,
          %add3A_457 = arith.constant 16 : i32
          %add3A_458 = arith.addi %mul3A_368, %add3A_457 : i32
          %add3A_459 = vector.broadcast %add3A_458 : i32 to vector<16xi32>
          %add3A_460 = arith.addi %add3A_459, %iota3A : vector<16xi32>
          %gather3A_461 = tpu.vector_load_idx %arg12[%add3A_460, %and3A_452] : memref<816x32xf32, #tpu.memory_space<vmem>>[vector<16xi32>, vector<16xi32>], vector<16xf32>,
          %add3A_462 = arith.constant 32 : i32
          %add3A_463 = arith.addi %mul3A_368, %add3A_462 : i32
          %add3A_464 = vector.broadcast %add3A_463 : i32 to vector<16xi32>
          %add3A_465 = arith.addi %add3A_464, %iota3A : vector<16xi32>
          %gather3A_466 = tpu.vector_load_idx %arg12[%add3A_465, %and3A_452] : memref<816x32xf32, #tpu.memory_space<vmem>>[vector<16xi32>, vector<16xi32>], vector<16xf32>,
          %add3A_467 = arith.constant 48 : i32
          %add3A_468 = arith.addi %mul3A_368, %add3A_467 : i32
          %add3A_469 = vector.broadcast %add3A_468 : i32 to vector<16xi32>
          %add3A_470 = arith.addi %add3A_469, %iota3A : vector<16xi32>
          %gather3A_471 = tpu.vector_load_idx %arg12[%add3A_470, %and3A_452] : memref<816x32xf32, #tpu.memory_space<vmem>>[vector<16xi32>, vector<16xi32>], vector<16xf32>,
          %jit3A_472 = arith.constant 0.000000e+00 : f32
          %broadcast_in_dim3A_473 = vector.broadcast %jit3A_472 : f32 to vector<16xf32>
          %select_n3A_474 = arith.select %lt3A_172, %gather3A_471, %broadcast_in_dim3A_473 : vector<16xi1>, vector<16xf32>
          %mul3A_475 = arith.mulf %gather3A_453, %gather3A_456 : vector<16xf32>
          %add3A_476 = arith.addf %add3A_431, %mul3A_475 : vector<16xf32>
          %mul3A_477 = arith.mulf %gather3A_453, %gather3A_461 : vector<16xf32>
          %add3A_478 = arith.addf %add3A_433, %mul3A_477 : vector<16xf32>
          %mul3A_479 = arith.mulf %gather3A_453, %gather3A_466 : vector<16xf32>
          %add3A_480 = arith.addf %add3A_435, %mul3A_479 : vector<16xf32>
          %mul3A_481 = arith.mulf %gather3A_453, %select_n3A_474 : vector<16xf32>
          %add3A_482 = arith.addf %add3A_437, %mul3A_481 : vector<16xf32>
          %mul3A_483 = arith.mulf %gather3A_456, %gather3A_456 : vector<16xf32>
          %add3A_484 = arith.addf %add3A_439, %mul3A_483 : vector<16xf32>
          %mul3A_485 = arith.mulf %gather3A_461, %gather3A_461 : vector<16xf32>
          %add3A_486 = arith.addf %add3A_441, %mul3A_485 : vector<16xf32>
          %mul3A_487 = arith.mulf %gather3A_466, %gather3A_466 : vector<16xf32>
          %add3A_488 = arith.addf %add3A_443, %mul3A_487 : vector<16xf32>
          %mul3A_489 = arith.mulf %select_n3A_474, %select_n3A_474 : vector<16xf32>
          %add3A_490 = arith.addf %add3A_445, %mul3A_489 : vector<16xf32>
          %scan3A_491 = arith.constant 2 : i32
          %scan3A_492 = arith.addi %scan3A_397, %scan3A_491 : i32
          %add3A_493 = vector.broadcast %scan3A_492 : i32 to vector<16xi32>
          %add3A_494 = arith.addi %iota3A, %add3A_493 : vector<16xi32>
          %and3A_495 = arith.constant 31 : i32
          %and3A_496 = vector.broadcast %and3A_495 : i32 to vector<16xi32>
          %and3A_497 = arith.andi %add3A_494, %and3A_496 : vector<16xi32>
          %gather3A_498 = tpu.vector_load_idx %arg10[%add3A_372, %and3A_497] : memref<512x32xf32, #tpu.memory_space<vmem>>[vector<16xi32>, vector<16xi32>], vector<16xf32>,
          %add3A_499 = vector.broadcast %mul3A_368 : i32 to vector<16xi32>
          %add3A_500 = arith.addi %add3A_499, %iota3A : vector<16xi32>
          %gather3A_501 = tpu.vector_load_idx %arg12[%add3A_500, %and3A_497] : memref<816x32xf32, #tpu.memory_space<vmem>>[vector<16xi32>, vector<16xi32>], vector<16xf32>,
          %add3A_502 = arith.constant 16 : i32
          %add3A_503 = arith.addi %mul3A_368, %add3A_502 : i32
          %add3A_504 = vector.broadcast %add3A_503 : i32 to vector<16xi32>
          %add3A_505 = arith.addi %add3A_504, %iota3A : vector<16xi32>
          %gather3A_506 = tpu.vector_load_idx %arg12[%add3A_505, %and3A_497] : memref<816x32xf32, #tpu.memory_space<vmem>>[vector<16xi32>, vector<16xi32>], vector<16xf32>,
          %add3A_507 = arith.constant 32 : i32
          %add3A_508 = arith.addi %mul3A_368, %add3A_507 : i32
          %add3A_509 = vector.broadcast %add3A_508 : i32 to vector<16xi32>
          %add3A_510 = arith.addi %add3A_509, %iota3A : vector<16xi32>
          %gather3A_511 = tpu.vector_load_idx %arg12[%add3A_510, %and3A_497] : memref<816x32xf32, #tpu.memory_space<vmem>>[vector<16xi32>, vector<16xi32>], vector<16xf32>,
          %add3A_512 = arith.constant 48 : i32
          %add3A_513 = arith.addi %mul3A_368, %add3A_512 : i32
          %add3A_514 = vector.broadcast %add3A_513 : i32 to vector<16xi32>
          %add3A_515 = arith.addi %add3A_514, %iota3A : vector<16xi32>
          %gather3A_516 = tpu.vector_load_idx %arg12[%add3A_515, %and3A_497] : memref<816x32xf32, #tpu.memory_space<vmem>>[vector<16xi32>, vector<16xi32>], vector<16xf32>,
          %jit3A_517 = arith.constant 0.000000e+00 : f32
          %broadcast_in_dim3A_518 = vector.broadcast %jit3A_517 : f32 to vector<16xf32>
          %select_n3A_519 = arith.select %lt3A_172, %gather3A_516, %broadcast_in_dim3A_518 : vector<16xi1>, vector<16xf32>
          %mul3A_520 = arith.mulf %gather3A_498, %gather3A_501 : vector<16xf32>
          %add3A_521 = arith.addf %add3A_476, %mul3A_520 : vector<16xf32>
          %mul3A_522 = arith.mulf %gather3A_498, %gather3A_506 : vector<16xf32>
          %add3A_523 = arith.addf %add3A_478, %mul3A_522 : vector<16xf32>
          %mul3A_524 = arith.mulf %gather3A_498, %gather3A_511 : vector<16xf32>
          %add3A_525 = arith.addf %add3A_480, %mul3A_524 : vector<16xf32>
          %mul3A_526 = arith.mulf %gather3A_498, %select_n3A_519 : vector<16xf32>
          %add3A_527 = arith.addf %add3A_482, %mul3A_526 : vector<16xf32>
          %mul3A_528 = arith.mulf %gather3A_501, %gather3A_501 : vector<16xf32>
          %add3A_529 = arith.addf %add3A_484, %mul3A_528 : vector<16xf32>
          %mul3A_530 = arith.mulf %gather3A_506, %gather3A_506 : vector<16xf32>
          %add3A_531 = arith.addf %add3A_486, %mul3A_530 : vector<16xf32>
          %mul3A_532 = arith.mulf %gather3A_511, %gather3A_511 : vector<16xf32>
          %add3A_533 = arith.addf %add3A_488, %mul3A_532 : vector<16xf32>
          %mul3A_534 = arith.mulf %select_n3A_519, %select_n3A_519 : vector<16xf32>
          %add3A_535 = arith.addf %add3A_490, %mul3A_534 : vector<16xf32>
          %scan3A_536 = arith.constant 3 : i32
          %scan3A_537 = arith.addi %scan3A_397, %scan3A_536 : i32
          %add3A_538 = vector.broadcast %scan3A_537 : i32 to vector<16xi32>
          %add3A_539 = arith.addi %iota3A, %add3A_538 : vector<16xi32>
          %and3A_540 = arith.constant 31 : i32
          %and3A_541 = vector.broadcast %and3A_540 : i32 to vector<16xi32>
          %and3A_542 = arith.andi %add3A_539, %and3A_541 : vector<16xi32>
          %gather3A_543 = tpu.vector_load_idx %arg10[%add3A_372, %and3A_542] : memref<512x32xf32, #tpu.memory_space<vmem>>[vector<16xi32>, vector<16xi32>], vector<16xf32>,
          %add3A_544 = vector.broadcast %mul3A_368 : i32 to vector<16xi32>
          %add3A_545 = arith.addi %add3A_544, %iota3A : vector<16xi32>
          %gather3A_546 = tpu.vector_load_idx %arg12[%add3A_545, %and3A_542] : memref<816x32xf32, #tpu.memory_space<vmem>>[vector<16xi32>, vector<16xi32>], vector<16xf32>,
          %add3A_547 = arith.constant 16 : i32
          %add3A_548 = arith.addi %mul3A_368, %add3A_547 : i32
          %add3A_549 = vector.broadcast %add3A_548 : i32 to vector<16xi32>
          %add3A_550 = arith.addi %add3A_549, %iota3A : vector<16xi32>
          %gather3A_551 = tpu.vector_load_idx %arg12[%add3A_550, %and3A_542] : memref<816x32xf32, #tpu.memory_space<vmem>>[vector<16xi32>, vector<16xi32>], vector<16xf32>,
          %add3A_552 = arith.constant 32 : i32
          %add3A_553 = arith.addi %mul3A_368, %add3A_552 : i32
          %add3A_554 = vector.broadcast %add3A_553 : i32 to vector<16xi32>
          %add3A_555 = arith.addi %add3A_554, %iota3A : vector<16xi32>
          %gather3A_556 = tpu.vector_load_idx %arg12[%add3A_555, %and3A_542] : memref<816x32xf32, #tpu.memory_space<vmem>>[vector<16xi32>, vector<16xi32>], vector<16xf32>,
          %add3A_557 = arith.constant 48 : i32
          %add3A_558 = arith.addi %mul3A_368, %add3A_557 : i32
          %add3A_559 = vector.broadcast %add3A_558 : i32 to vector<16xi32>
          %add3A_560 = arith.addi %add3A_559, %iota3A : vector<16xi32>
          %gather3A_561 = tpu.vector_load_idx %arg12[%add3A_560, %and3A_542] : memref<816x32xf32, #tpu.memory_space<vmem>>[vector<16xi32>, vector<16xi32>], vector<16xf32>,
          %jit3A_562 = arith.constant 0.000000e+00 : f32
          %broadcast_in_dim3A_563 = vector.broadcast %jit3A_562 : f32 to vector<16xf32>
          %select_n3A_564 = arith.select %lt3A_172, %gather3A_561, %broadcast_in_dim3A_563 : vector<16xi1>, vector<16xf32>
          %mul3A_565 = arith.mulf %gather3A_543, %gather3A_546 : vector<16xf32>
          %add3A_566 = arith.addf %add3A_521, %mul3A_565 : vector<16xf32>
          %mul3A_567 = arith.mulf %gather3A_543, %gather3A_551 : vector<16xf32>
          %add3A_568 = arith.addf %add3A_523, %mul3A_567 : vector<16xf32>
          %mul3A_569 = arith.mulf %gather3A_543, %gather3A_556 : vector<16xf32>
          %add3A_570 = arith.addf %add3A_525, %mul3A_569 : vector<16xf32>
          %mul3A_571 = arith.mulf %gather3A_543, %select_n3A_564 : vector<16xf32>
          %add3A_572 = arith.addf %add3A_527, %mul3A_571 : vector<16xf32>
          %mul3A_573 = arith.mulf %gather3A_546, %gather3A_546 : vector<16xf32>
          %add3A_574 = arith.addf %add3A_529, %mul3A_573 : vector<16xf32>
          %mul3A_575 = arith.mulf %gather3A_551, %gather3A_551 : vector<16xf32>
          %add3A_576 = arith.addf %add3A_531, %mul3A_575 : vector<16xf32>
          %mul3A_577 = arith.mulf %gather3A_556, %gather3A_556 : vector<16xf32>
          %add3A_578 = arith.addf %add3A_533, %mul3A_577 : vector<16xf32>
          %mul3A_579 = arith.mulf %select_n3A_564, %select_n3A_564 : vector<16xf32>
          %add3A_580 = arith.addf %add3A_535, %mul3A_579 : vector<16xf32>
          scf.yield %add3A_566, %add3A_568, %add3A_570, %add3A_572, %add3A_574, %add3A_576, %add3A_578, %add3A_580 : vector<16xf32>, vector<16xf32>, vector<16xf32>, vector<16xf32>, vector<16xf32>, vector<16xf32>, vector<16xf32>, vector<16xf32>
        }
        %scan3A_378 = arith.constant 32 : i32
        %swap3A_379 = arith.index_cast %mul3A_370 : i32 to index
        %swap3A_380 = tpu.vector_load %arg15[%swap3A_379] {strides = array<i32>} : memref<1040xf32, #tpu.memory_space<vmem>>, vector<16xf32>,
        tpu.vector_store %arg15[%swap3A_379], %scan3A_377#0 {strides = array<i32>} : memref<1040xf32, #tpu.memory_space<vmem>>, vector<16xf32>,
        %add3A_381 = arith.constant 16 : i32
        %add3A_382 = arith.addi %mul3A_370, %add3A_381 : i32
        %swap3A_383 = arith.index_cast %add3A_382 : i32 to index
        %swap3A_384 = tpu.vector_load %arg15[%swap3A_383] {strides = array<i32>} : memref<1040xf32, #tpu.memory_space<vmem>>, vector<16xf32>,
        tpu.vector_store %arg15[%swap3A_383], %scan3A_377#1 {strides = array<i32>} : memref<1040xf32, #tpu.memory_space<vmem>>, vector<16xf32>,
        %add3A_385 = arith.constant 32 : i32
        %add3A_386 = arith.addi %mul3A_370, %add3A_385 : i32
        %swap3A_387 = arith.index_cast %add3A_386 : i32 to index
        %swap3A_388 = tpu.vector_load %arg15[%swap3A_387] {strides = array<i32>} : memref<1040xf32, #tpu.memory_space<vmem>>, vector<16xf32>,
        tpu.vector_store %arg15[%swap3A_387], %scan3A_377#2 {strides = array<i32>} : memref<1040xf32, #tpu.memory_space<vmem>>, vector<16xf32>,
        %add3A_389 = arith.constant 48 : i32
        %add3A_390 = arith.addi %mul3A_370, %add3A_389 : i32
        %swap3A_391 = arith.index_cast %add3A_390 : i32 to index
        %swap3A_392 = tpu.vector_load %arg15[%swap3A_391] {strides = array<i32>} : memref<1040xf32, #tpu.memory_space<vmem>>, vector<16xf32>,
        tpu.vector_store %arg15[%swap3A_391], %scan3A_377#3 {strides = array<i32>} : memref<1040xf32, #tpu.memory_space<vmem>>, vector<16xf32>,
        %add3A_393 = arith.addf %scan3A_377#4, %scan3A_377#5 : vector<16xf32>
        %add3A_394 = arith.addf %add3A_364, %add3A_393 : vector<16xf32>
        %add3A_395 = arith.addf %scan3A_377#6, %scan3A_377#7 : vector<16xf32>
        %add3A_396 = arith.addf %add3A_366, %add3A_395 : vector<16xf32>
        scf.yield %add3A_394, %add3A_396 : vector<16xf32>, vector<16xf32>
      }
      %scan3A_206 = arith.constant 16 : i32
      %mul3A_207 = arith.constant 65 : i32
      %mul3A_208 = vector.broadcast %mul3A_207 : i32 to vector<16xi32>
      %mul3A_209 = arith.muli %iota3A, %mul3A_208 : vector<16xi32>
      %sub3A = arith.constant 3.000000e+38 : f32
      %sub3A_210 = vector.broadcast %sub3A : f32 to vector<16xf32>
      %sub3A_211 = arith.subf %broadcast_in_dim3A_3, %sub3A_210 : vector<16xf32>
      %scan3A_212 = arith.constant 0 : i32
      %scan3A_213 = arith.constant 48 : i32
      %scan3A_214 = arith.addi %scan3A_212, %scan3A_213 : i32
      %scan3A_215 = arith.constant 4 : i32
      %scan3A_216 = scf.for %scan3A_351 = %scan3A_212 to %scan3A_214 step %scan3A_215 iter_args(%scan3A_352 = %sub3A_211) -> (vector<16xf32>)  : i32 {
        %add3A_353 = vector.broadcast %scan3A_351 : i32 to vector<16xi32>
        %add3A_354 = arith.addi %mul3A_209, %add3A_353 : vector<16xi32>
        %gather3A_355 = tpu.vector_load_idx %arg15[%add3A_354] : memref<1040xf32, #tpu.memory_space<vmem>>[vector<16xi32>], vector<16xf32>,
        %max3A_356 = arith.maximumf %scan3A_352, %gather3A_355 : vector<16xf32>
        %scan3A_357 = arith.constant 1 : i32
        %scan3A_358 = arith.addi %scan3A_351, %scan3A_357 : i32
        %add3A_359 = vector.broadcast %scan3A_358 : i32 to vector<16xi32>
        %add3A_360 = arith.addi %mul3A_209, %add3A_359 : vector<16xi32>
        %gather3A_361 = tpu.vector_load_idx %arg15[%add3A_360] : memref<1040xf32, #tpu.memory_space<vmem>>[vector<16xi32>], vector<16xf32>,
        %max3A_362 = arith.maximumf %max3A_356, %gather3A_361 : vector<16xf32>
        %scan3A_363 = arith.constant 2 : i32
        %scan3A_364 = arith.addi %scan3A_351, %scan3A_363 : i32
        %add3A_365 = vector.broadcast %scan3A_364 : i32 to vector<16xi32>
        %add3A_366 = arith.addi %mul3A_209, %add3A_365 : vector<16xi32>
        %gather3A_367 = tpu.vector_load_idx %arg15[%add3A_366] : memref<1040xf32, #tpu.memory_space<vmem>>[vector<16xi32>], vector<16xf32>,
        %max3A_368 = arith.maximumf %max3A_362, %gather3A_367 : vector<16xf32>
        %scan3A_369 = arith.constant 3 : i32
        %scan3A_370 = arith.addi %scan3A_351, %scan3A_369 : i32
        %add3A_371 = vector.broadcast %scan3A_370 : i32 to vector<16xi32>
        %add3A_372 = arith.addi %mul3A_209, %add3A_371 : vector<16xi32>
        %gather3A_373 = tpu.vector_load_idx %arg15[%add3A_372] : memref<1040xf32, #tpu.memory_space<vmem>>[vector<16xi32>], vector<16xf32>,
        %max3A_374 = arith.maximumf %max3A_368, %gather3A_373 : vector<16xf32>
        scf.yield %max3A_374 : vector<16xf32>
      }
      %scan3A_217 = arith.constant 48 : i32
      %scan3A_218 = arith.addi %scan3A_212, %scan3A_217 : i32
      %add3A_219 = vector.broadcast %scan3A_218 : i32 to vector<16xi32>
      %add3A_220 = arith.addi %mul3A_209, %add3A_219 : vector<16xi32>
      %gather3A = tpu.vector_load_idx %arg15[%add3A_220] : memref<1040xf32, #tpu.memory_space<vmem>>[vector<16xi32>], vector<16xf32>,
      %max3A = arith.maximumf %scan3A_216, %gather3A : vector<16xf32>
      %scan3A_221 = arith.constant 49 : i32
      %scan3A_222 = arith.addi %scan3A_212, %scan3A_221 : i32
      %add3A_223 = vector.broadcast %scan3A_222 : i32 to vector<16xi32>
      %add3A_224 = arith.addi %mul3A_209, %add3A_223 : vector<16xi32>
      %gather3A_225 = tpu.vector_load_idx %arg15[%add3A_224] : memref<1040xf32, #tpu.memory_space<vmem>>[vector<16xi32>], vector<16xf32>,
      %max3A_226 = arith.maximumf %max3A, %gather3A_225 : vector<16xf32>
      %scan3A_227 = arith.constant 50 : i32
      %scan3A_228 = arith.constant 0 : i32
      %scan3A_229 = arith.constant 48 : i32
      %scan3A_230 = arith.addi %scan3A_228, %scan3A_229 : i32
      %scan3A_231 = arith.constant 4 : i32
      %scan3A_232 = scf.for %scan3A_351 = %scan3A_228 to %scan3A_230 step %scan3A_231 iter_args(%scan3A_352 = %broadcast_in_dim3A_3) -> (vector<16xf32>)  : i32 {
        %add3A_353 = vector.broadcast %scan3A_351 : i32 to vector<16xi32>
        %add3A_354 = arith.addi %mul3A_209, %add3A_353 : vector<16xi32>
        %gather3A_355 = tpu.vector_load_idx %arg15[%add3A_354] : memref<1040xf32, #tpu.memory_space<vmem>>[vector<16xi32>], vector<16xf32>,
        %sub3A_356 = arith.subf %gather3A_355, %max3A_226 : vector<16xf32>
        %exp3A_357 = math.exp %sub3A_356 : vector<16xf32>
        %add3A_358 = arith.addf %scan3A_352, %exp3A_357 : vector<16xf32>
        %scan3A_359 = arith.constant 1 : i32
        %scan3A_360 = arith.addi %scan3A_351, %scan3A_359 : i32
        %add3A_361 = vector.broadcast %scan3A_360 : i32 to vector<16xi32>
        %add3A_362 = arith.addi %mul3A_209, %add3A_361 : vector<16xi32>
        %gather3A_363 = tpu.vector_load_idx %arg15[%add3A_362] : memref<1040xf32, #tpu.memory_space<vmem>>[vector<16xi32>], vector<16xf32>,
        %sub3A_364 = arith.subf %gather3A_363, %max3A_226 : vector<16xf32>
        %exp3A_365 = math.exp %sub3A_364 : vector<16xf32>
        %add3A_366 = arith.addf %add3A_358, %exp3A_365 : vector<16xf32>
        %scan3A_367 = arith.constant 2 : i32
        %scan3A_368 = arith.addi %scan3A_351, %scan3A_367 : i32
        %add3A_369 = vector.broadcast %scan3A_368 : i32 to vector<16xi32>
        %add3A_370 = arith.addi %mul3A_209, %add3A_369 : vector<16xi32>
        %gather3A_371 = tpu.vector_load_idx %arg15[%add3A_370] : memref<1040xf32, #tpu.memory_space<vmem>>[vector<16xi32>], vector<16xf32>,
        %sub3A_372 = arith.subf %gather3A_371, %max3A_226 : vector<16xf32>
        %exp3A_373 = math.exp %sub3A_372 : vector<16xf32>
        %add3A_374 = arith.addf %add3A_366, %exp3A_373 : vector<16xf32>
        %scan3A_375 = arith.constant 3 : i32
        %scan3A_376 = arith.addi %scan3A_351, %scan3A_375 : i32
        %add3A_377 = vector.broadcast %scan3A_376 : i32 to vector<16xi32>
        %add3A_378 = arith.addi %mul3A_209, %add3A_377 : vector<16xi32>
        %gather3A_379 = tpu.vector_load_idx %arg15[%add3A_378] : memref<1040xf32, #tpu.memory_space<vmem>>[vector<16xi32>], vector<16xf32>,
        %sub3A_380 = arith.subf %gather3A_379, %max3A_226 : vector<16xf32>
        %exp3A_381 = math.exp %sub3A_380 : vector<16xf32>
        %add3A_382 = arith.addf %add3A_374, %exp3A_381 : vector<16xf32>
        scf.yield %add3A_382 : vector<16xf32>
      }
      %scan3A_233 = arith.constant 48 : i32
      %scan3A_234 = arith.addi %scan3A_228, %scan3A_233 : i32
      %add3A_235 = vector.broadcast %scan3A_234 : i32 to vector<16xi32>
      %add3A_236 = arith.addi %mul3A_209, %add3A_235 : vector<16xi32>
      %gather3A_237 = tpu.vector_load_idx %arg15[%add3A_236] : memref<1040xf32, #tpu.memory_space<vmem>>[vector<16xi32>], vector<16xf32>,
      %sub3A_238 = arith.subf %gather3A_237, %max3A_226 : vector<16xf32>
      %exp3A = math.exp %sub3A_238 : vector<16xf32>
      %add3A_239 = arith.addf %scan3A_232, %exp3A : vector<16xf32>
      %scan3A_240 = arith.constant 49 : i32
      %scan3A_241 = arith.addi %scan3A_228, %scan3A_240 : i32
      %add3A_242 = vector.broadcast %scan3A_241 : i32 to vector<16xi32>
      %add3A_243 = arith.addi %mul3A_209, %add3A_242 : vector<16xi32>
      %gather3A_244 = tpu.vector_load_idx %arg15[%add3A_243] : memref<1040xf32, #tpu.memory_space<vmem>>[vector<16xi32>], vector<16xf32>,
      %sub3A_245 = arith.subf %gather3A_244, %max3A_226 : vector<16xf32>
      %exp3A_246 = math.exp %sub3A_245 : vector<16xf32>
      %add3A_247 = arith.addf %add3A_239, %exp3A_246 : vector<16xf32>
      %scan3A_248 = arith.constant 50 : i32
      %mul3A_249 = arith.constant 16 : i32
      %mul3A_250 = arith.muli %mul3A_188, %mul3A_249 : i32
      %get3A = arith.index_cast %mul3A_250 : i32 to index
      %get3A_251 = tpu.vector_load %arg14[%get3A] {strides = array<i32>} : memref<512xi32, #tpu.memory_space<vmem>>, vector<16xi32>,
      %add3A_252 = arith.addi %mul3A_209, %get3A_251 : vector<16xi32>
      %gather3A_253 = tpu.vector_load_idx %arg15[%add3A_252] : memref<1040xf32, #tpu.memory_space<vmem>>[vector<16xi32>], vector<16xf32>,
      %sub3A_254 = arith.subf %gather3A_253, %max3A_226 : vector<16xf32>
      %exp3A_255 = math.exp %sub3A_254 : vector<16xf32>
      %div3A = arith.divf %exp3A_255, %add3A_247 : vector<16xf32>
      %mul3A_256 = arith.constant 16 : i32
      %mul3A_257 = arith.muli %mul3A_188, %mul3A_256 : i32
      %swap3A_258 = arith.index_cast %mul3A_257 : i32 to index
      %swap3A_259 = tpu.vector_load %arg16[%swap3A_258] {strides = array<i32>} : memref<512xf32, #tpu.memory_space<vmem>>, vector<16xf32>,
      tpu.vector_store %arg16[%swap3A_258], %div3A {strides = array<i32>} : memref<512xf32, #tpu.memory_space<vmem>>, vector<16xf32>,
      %add3A_260 = arith.constant 2 : i32
      %add3A_261 = arith.addi %mul3A_188, %add3A_260 : i32
      %lt3A_262 = arith.constant 32 : i32
      %lt3A_263 = arith.cmpi slt, %add3A_261, %lt3A_262 : i32
      %convert_element_type3A = arith.extui %lt3A_263 : i1 to i32
      %cond3A = arith.constant 0 : i32
      %cond3A_264 = arith.cmpi ne, %convert_element_type3A, %cond3A : i32
      scf.if %cond3A_264 {
        %add3A_351 = arith.constant 2 : i32
        %add3A_352 = arith.addi %mul3A_188, %add3A_351 : i32
        %mul3A_353 = arith.constant 800 : i32
        %mul3A_354 = arith.muli %add3A_352, %mul3A_353 : i32
        %add3A_355 = arith.constant 0 : i32
        %add3A_356 = arith.addi %mul3A_354, %add3A_355 : i32
        %multiple_of3A_357 = tpu.assume_multiple %add3A_356, 32 : i32
        %dma_start3A_358 = arith.constant 0 : i32
        %dma_start3A_359 = arith.constant 0 : i32
        %dma_start3A_360 = tpu.memref_slice %arg12[%dma_start3A_358, %dma_start3A_359] : memref<816x32xf32, #tpu.memory_space<vmem>> -> memref<128x32xf32, #tpu.memory_space<vmem>>
        %dma_start3A_361 = tpu.memref_slice %arg11[%multiple_of3A_357] : memref<25600xi32, #tpu.memory_space<vmem>> -> memref<128xi32, #tpu.memory_space<vmem>>
        %dma_start3A_362 = arith.constant 0 : i32
        %dma_start3A_363 = arith.constant 0 : i32
        %dma_start3A_364 = tpu.memref_slice %arg6[%dma_start3A_362, %dma_start3A_363] : memref<1000000x32xf32, #tpu.memory_space<hbm>> -> memref<1000000x32xf32, #tpu.memory_space<hbm>>
        tpu.enqueue_indirect_dma source(%dma_start3A_364 : memref<1000000x32xf32, #tpu.memory_space<hbm>>) target(%dma_start3A_360 : memref<128x32xf32, #tpu.memory_space<vmem>>) offsets(%dma_start3A_361 : memref<128xi32, #tpu.memory_space<vmem>>) semaphore(%arg19 : memref<!tpu.dma_semaphore, #tpu.memory_space<semaphore_mem>>)
        %mul3A_365 = arith.constant 800 : i32
        %mul3A_366 = arith.muli %add3A_352, %mul3A_365 : i32
        %add3A_367 = arith.constant 128 : i32
        %add3A_368 = arith.addi %mul3A_366, %add3A_367 : i32
        %multiple_of3A_369 = tpu.assume_multiple %add3A_368, 32 : i32
        %dma_start3A_370 = arith.constant 128 : i32
        %dma_start3A_371 = arith.constant 0 : i32
        %dma_start3A_372 = tpu.memref_slice %arg12[%dma_start3A_370, %dma_start3A_371] : memref<816x32xf32, #tpu.memory_space<vmem>> -> memref<128x32xf32, #tpu.memory_space<vmem>>
        %dma_start3A_373 = tpu.memref_slice %arg11[%multiple_of3A_369] : memref<25600xi32, #tpu.memory_space<vmem>> -> memref<128xi32, #tpu.memory_space<vmem>>
        %dma_start3A_374 = arith.constant 0 : i32
        %dma_start3A_375 = arith.constant 0 : i32
        %dma_start3A_376 = tpu.memref_slice %arg6[%dma_start3A_374, %dma_start3A_375] : memref<1000000x32xf32, #tpu.memory_space<hbm>> -> memref<1000000x32xf32, #tpu.memory_space<hbm>>
        tpu.enqueue_indirect_dma source(%dma_start3A_376 : memref<1000000x32xf32, #tpu.memory_space<hbm>>) target(%dma_start3A_372 : memref<128x32xf32, #tpu.memory_space<vmem>>) offsets(%dma_start3A_373 : memref<128xi32, #tpu.memory_space<vmem>>) semaphore(%arg19 : memref<!tpu.dma_semaphore, #tpu.memory_space<semaphore_mem>>)
        %mul3A_377 = arith.constant 800 : i32
        %mul3A_378 = arith.muli %add3A_352, %mul3A_377 : i32
        %add3A_379 = arith.constant 256 : i32
        %add3A_380 = arith.addi %mul3A_378, %add3A_379 : i32
        %multiple_of3A_381 = tpu.assume_multiple %add3A_380, 32 : i32
        %dma_start3A_382 = arith.constant 256 : i32
        %dma_start3A_383 = arith.constant 0 : i32
        %dma_start3A_384 = tpu.memref_slice %arg12[%dma_start3A_382, %dma_start3A_383] : memref<816x32xf32, #tpu.memory_space<vmem>> -> memref<128x32xf32, #tpu.memory_space<vmem>>
        %dma_start3A_385 = tpu.memref_slice %arg11[%multiple_of3A_381] : memref<25600xi32, #tpu.memory_space<vmem>> -> memref<128xi32, #tpu.memory_space<vmem>>
        %dma_start3A_386 = arith.constant 0 : i32
        %dma_start3A_387 = arith.constant 0 : i32
        %dma_start3A_388 = tpu.memref_slice %arg6[%dma_start3A_386, %dma_start3A_387] : memref<1000000x32xf32, #tpu.memory_space<hbm>> -> memref<1000000x32xf32, #tpu.memory_space<hbm>>
        tpu.enqueue_indirect_dma source(%dma_start3A_388 : memref<1000000x32xf32, #tpu.memory_space<hbm>>) target(%dma_start3A_384 : memref<128x32xf32, #tpu.memory_space<vmem>>) offsets(%dma_start3A_385 : memref<128xi32, #tpu.memory_space<vmem>>) semaphore(%arg19 : memref<!tpu.dma_semaphore, #tpu.memory_space<semaphore_mem>>)
        %mul3A_389 = arith.constant 800 : i32
        %mul3A_390 = arith.muli %add3A_352, %mul3A_389 : i32
        %add3A_391 = arith.constant 384 : i32
        %add3A_392 = arith.addi %mul3A_390, %add3A_391 : i32
        %multiple_of3A_393 = tpu.assume_multiple %add3A_392, 32 : i32
        %dma_start3A_394 = arith.constant 384 : i32
        %dma_start3A_395 = arith.constant 0 : i32
        %dma_start3A_396 = tpu.memref_slice %arg12[%dma_start3A_394, %dma_start3A_395] : memref<816x32xf32, #tpu.memory_space<vmem>> -> memref<128x32xf32, #tpu.memory_space<vmem>>
        %dma_start3A_397 = tpu.memref_slice %arg11[%multiple_of3A_393] : memref<25600xi32, #tpu.memory_space<vmem>> -> memref<128xi32, #tpu.memory_space<vmem>>
        %dma_start3A_398 = arith.constant 0 : i32
        %dma_start3A_399 = arith.constant 0 : i32
        %dma_start3A_400 = tpu.memref_slice %arg6[%dma_start3A_398, %dma_start3A_399] : memref<1000000x32xf32, #tpu.memory_space<hbm>> -> memref<1000000x32xf32, #tpu.memory_space<hbm>>
        tpu.enqueue_indirect_dma source(%dma_start3A_400 : memref<1000000x32xf32, #tpu.memory_space<hbm>>) target(%dma_start3A_396 : memref<128x32xf32, #tpu.memory_space<vmem>>) offsets(%dma_start3A_397 : memref<128xi32, #tpu.memory_space<vmem>>) semaphore(%arg19 : memref<!tpu.dma_semaphore, #tpu.memory_space<semaphore_mem>>)
        %mul3A_401 = arith.constant 800 : i32
        %mul3A_402 = arith.muli %add3A_352, %mul3A_401 : i32
        %add3A_403 = arith.constant 512 : i32
        %add3A_404 = arith.addi %mul3A_402, %add3A_403 : i32
        %multiple_of3A_405 = tpu.assume_multiple %add3A_404, 32 : i32
        %dma_start3A_406 = arith.constant 512 : i32
        %dma_start3A_407 = arith.constant 0 : i32
        %dma_start3A_408 = tpu.memref_slice %arg12[%dma_start3A_406, %dma_start3A_407] : memref<816x32xf32, #tpu.memory_space<vmem>> -> memref<128x32xf32, #tpu.memory_space<vmem>>
        %dma_start3A_409 = tpu.memref_slice %arg11[%multiple_of3A_405] : memref<25600xi32, #tpu.memory_space<vmem>> -> memref<128xi32, #tpu.memory_space<vmem>>
        %dma_start3A_410 = arith.constant 0 : i32
        %dma_start3A_411 = arith.constant 0 : i32
        %dma_start3A_412 = tpu.memref_slice %arg6[%dma_start3A_410, %dma_start3A_411] : memref<1000000x32xf32, #tpu.memory_space<hbm>> -> memref<1000000x32xf32, #tpu.memory_space<hbm>>
        tpu.enqueue_indirect_dma source(%dma_start3A_412 : memref<1000000x32xf32, #tpu.memory_space<hbm>>) target(%dma_start3A_408 : memref<128x32xf32, #tpu.memory_space<vmem>>) offsets(%dma_start3A_409 : memref<128xi32, #tpu.memory_space<vmem>>) semaphore(%arg19 : memref<!tpu.dma_semaphore, #tpu.memory_space<semaphore_mem>>)
        %mul3A_413 = arith.constant 800 : i32
        %mul3A_414 = arith.muli %add3A_352, %mul3A_413 : i32
        %add3A_415 = arith.constant 640 : i32
        %add3A_416 = arith.addi %mul3A_414, %add3A_415 : i32
        %multiple_of3A_417 = tpu.assume_multiple %add3A_416, 32 : i32
        %dma_start3A_418 = arith.constant 640 : i32
        %dma_start3A_419 = arith.constant 0 : i32
        %dma_start3A_420 = tpu.memref_slice %arg12[%dma_start3A_418, %dma_start3A_419] : memref<816x32xf32, #tpu.memory_space<vmem>> -> memref<128x32xf32, #tpu.memory_space<vmem>>
        %dma_start3A_421 = tpu.memref_slice %arg11[%multiple_of3A_417] : memref<25600xi32, #tpu.memory_space<vmem>> -> memref<128xi32, #tpu.memory_space<vmem>>
        %dma_start3A_422 = arith.constant 0 : i32
        %dma_start3A_423 = arith.constant 0 : i32
        %dma_start3A_424 = tpu.memref_slice %arg6[%dma_start3A_422, %dma_start3A_423] : memref<1000000x32xf32, #tpu.memory_space<hbm>> -> memref<1000000x32xf32, #tpu.memory_space<hbm>>
        tpu.enqueue_indirect_dma source(%dma_start3A_424 : memref<1000000x32xf32, #tpu.memory_space<hbm>>) target(%dma_start3A_420 : memref<128x32xf32, #tpu.memory_space<vmem>>) offsets(%dma_start3A_421 : memref<128xi32, #tpu.memory_space<vmem>>) semaphore(%arg19 : memref<!tpu.dma_semaphore, #tpu.memory_space<semaphore_mem>>)
        %mul3A_425 = arith.constant 800 : i32
        %mul3A_426 = arith.muli %add3A_352, %mul3A_425 : i32
        %add3A_427 = arith.constant 768 : i32
        %add3A_428 = arith.addi %mul3A_426, %add3A_427 : i32
        %multiple_of3A_429 = tpu.assume_multiple %add3A_428, 32 : i32
        %dma_start3A_430 = arith.constant 768 : i32
        %dma_start3A_431 = arith.constant 0 : i32
        %dma_start3A_432 = tpu.memref_slice %arg12[%dma_start3A_430, %dma_start3A_431] : memref<816x32xf32, #tpu.memory_space<vmem>> -> memref<32x32xf32, #tpu.memory_space<vmem>>
        %dma_start3A_433 = tpu.memref_slice %arg11[%multiple_of3A_429] : memref<25600xi32, #tpu.memory_space<vmem>> -> memref<32xi32, #tpu.memory_space<vmem>>
        %dma_start3A_434 = arith.constant 0 : i32
        %dma_start3A_435 = arith.constant 0 : i32
        %dma_start3A_436 = tpu.memref_slice %arg6[%dma_start3A_434, %dma_start3A_435] : memref<1000000x32xf32, #tpu.memory_space<hbm>> -> memref<1000000x32xf32, #tpu.memory_space<hbm>>
        tpu.enqueue_indirect_dma source(%dma_start3A_436 : memref<1000000x32xf32, #tpu.memory_space<hbm>>) target(%dma_start3A_432 : memref<32x32xf32, #tpu.memory_space<vmem>>) offsets(%dma_start3A_433 : memref<32xi32, #tpu.memory_space<vmem>>) semaphore(%arg19 : memref<!tpu.dma_semaphore, #tpu.memory_space<semaphore_mem>>)
      } else {
      }
      %dma_wait3A_265 = arith.constant 0 : i32
      %dma_wait3A_266 = arith.constant 0 : i32
      %dma_wait3A_267 = tpu.memref_slice %arg13[%dma_wait3A_265, %dma_wait3A_266] : memref<816x32xf32, #tpu.memory_space<vmem>> -> memref<800x32xf32, #tpu.memory_space<vmem>>
      %dma_wait3A_268 = arith.constant 0 : i32
      %dma_wait3A_269 = arith.constant 0 : i32
      %dma_wait3A_270 = tpu.memref_slice %arg6[%dma_wait3A_268, %dma_wait3A_269] : memref<1000000x32xf32, #tpu.memory_space<hbm>> -> memref<800x32xf32, #tpu.memory_space<hbm>>
      %dma_wait3A_271 = arith.constant 0 : i32
      %dma_wait3A_272 = arith.constant 0 : i32
      %dma_wait3A_273 = tpu.memref_slice %arg13[%dma_wait3A_271, %dma_wait3A_272] : memref<816x32xf32, #tpu.memory_space<vmem>> -> memref<800x32xf32, #tpu.memory_space<vmem>>
      %dma_wait3A_274 = arith.constant 0 : i32
      %dma_wait3A_275 = arith.constant 0 : i32
      %dma_wait3A_276 = tpu.memref_slice %arg6[%dma_wait3A_274, %dma_wait3A_275] : memref<1000000x32xf32, #tpu.memory_space<hbm>> -> memref<800x32xf32, #tpu.memory_space<hbm>>
      tpu.wait_dma2 semaphore(%arg20 : memref<!tpu.dma_semaphore, #tpu.memory_space<semaphore_mem>>) src(%dma_wait3A_276 : memref<800x32xf32, #tpu.memory_space<hbm>>) dst(%dma_wait3A_273 : memref<800x32xf32, #tpu.memory_space<vmem>>)
      %add3A_277 = arith.constant 1 : i32
      %add3A_278 = arith.addi %mul3A_188, %add3A_277 : i32
      %scan3A_279 = arith.constant 0 : i32
      %scan3A_280 = arith.constant 16 : i32
      %scan3A_281 = arith.addi %scan3A_279, %scan3A_280 : i32
      %scan3A_282 = arith.constant 1 : i32
      %scan3A_283:2 = scf.for %scan3A_351 = %scan3A_279 to %scan3A_281 step %scan3A_282 iter_args(%scan3A_352 = %scan3A_205#0, %scan3A_353 = %scan3A_205#1) -> (vector<16xf32>, vector<16xf32>)  : i32 {
        %mul3A_354 = arith.constant 16 : i32
        %mul3A_355 = arith.muli %add3A_278, %mul3A_354 : i32
        %add3A_356 = arith.addi %mul3A_355, %scan3A_351 : i32
        %get3A_357 = arith.index_cast %add3A_356 : i32 to index
        %get3A_358 = arith.constant 0 : index
        %get3A_359 = tpu.vector_load %arg10[%get3A_357, %get3A_358] {strides = array<i32>} : memref<512x32xf32, #tpu.memory_space<vmem>>, vector<16xf32>,
        %get3A_360 = arith.index_cast %add3A_356 : i32 to index
        %get3A_361 = arith.constant 16 : index
        %get3A_362 = tpu.vector_load %arg10[%get3A_360, %get3A_361] {strides = array<i32>} : memref<512x32xf32, #tpu.memory_space<vmem>>, vector<16xf32>,
        %mul3A_363 = arith.mulf %get3A_359, %get3A_359 : vector<16xf32>
        %add3A_364 = arith.addf %scan3A_352, %mul3A_363 : vector<16xf32>
        %mul3A_365 = arith.mulf %get3A_362, %get3A_362 : vector<16xf32>
        %add3A_366 = arith.addf %scan3A_353, %mul3A_365 : vector<16xf32>
        %mul3A_367 = arith.constant 50 : i32
        %mul3A_368 = arith.muli %scan3A_351, %mul3A_367 : i32
        %mul3A_369 = arith.constant 65 : i32
        %mul3A_370 = arith.muli %scan3A_351, %mul3A_369 : i32
        %add3A_371 = vector.broadcast %add3A_356 : i32 to vector<16xi32>
        %add3A_372 = arith.addi %broadcast_in_dim3A_5, %add3A_371 : vector<16xi32>
        %scan3A_373 = arith.constant 0 : i32
        %scan3A_374 = arith.constant 32 : i32
        %scan3A_375 = arith.addi %scan3A_373, %scan3A_374 : i32
        %scan3A_376 = arith.constant 4 : i32
        %scan3A_377:8 = scf.for %scan3A_397 = %scan3A_373 to %scan3A_375 step %scan3A_376 iter_args(%scan3A_398 = %broadcast_in_dim3A_3, %scan3A_399 = %broadcast_in_dim3A_3, %scan3A_400 = %broadcast_in_dim3A_3, %scan3A_401 = %broadcast_in_dim3A_3, %scan3A_402 = %broadcast_in_dim3A_3, %scan3A_403 = %broadcast_in_dim3A_3, %scan3A_404 = %broadcast_in_dim3A_3, %scan3A_405 = %broadcast_in_dim3A_3) -> (vector<16xf32>, vector<16xf32>, vector<16xf32>, vector<16xf32>, vector<16xf32>, vector<16xf32>, vector<16xf32>, vector<16xf32>)  : i32 {
          %add3A_406 = vector.broadcast %scan3A_397 : i32 to vector<16xi32>
          %add3A_407 = arith.addi %iota3A, %add3A_406 : vector<16xi32>
          %and3A = arith.constant 31 : i32
          %and3A_408 = vector.broadcast %and3A : i32 to vector<16xi32>
          %and3A_409 = arith.andi %add3A_407, %and3A_408 : vector<16xi32>
          %gather3A_410 = tpu.vector_load_idx %arg10[%add3A_372, %and3A_409] : memref<512x32xf32, #tpu.memory_space<vmem>>[vector<16xi32>, vector<16xi32>], vector<16xf32>,
          %add3A_411 = vector.broadcast %mul3A_368 : i32 to vector<16xi32>
          %add3A_412 = arith.addi %add3A_411, %iota3A : vector<16xi32>
          %gather3A_413 = tpu.vector_load_idx %arg13[%add3A_412, %and3A_409] : memref<816x32xf32, #tpu.memory_space<vmem>>[vector<16xi32>, vector<16xi32>], vector<16xf32>,
          %add3A_414 = arith.constant 16 : i32
          %add3A_415 = arith.addi %mul3A_368, %add3A_414 : i32
          %add3A_416 = vector.broadcast %add3A_415 : i32 to vector<16xi32>
          %add3A_417 = arith.addi %add3A_416, %iota3A : vector<16xi32>
          %gather3A_418 = tpu.vector_load_idx %arg13[%add3A_417, %and3A_409] : memref<816x32xf32, #tpu.memory_space<vmem>>[vector<16xi32>, vector<16xi32>], vector<16xf32>,
          %add3A_419 = arith.constant 32 : i32
          %add3A_420 = arith.addi %mul3A_368, %add3A_419 : i32
          %add3A_421 = vector.broadcast %add3A_420 : i32 to vector<16xi32>
          %add3A_422 = arith.addi %add3A_421, %iota3A : vector<16xi32>
          %gather3A_423 = tpu.vector_load_idx %arg13[%add3A_422, %and3A_409] : memref<816x32xf32, #tpu.memory_space<vmem>>[vector<16xi32>, vector<16xi32>], vector<16xf32>,
          %add3A_424 = arith.constant 48 : i32
          %add3A_425 = arith.addi %mul3A_368, %add3A_424 : i32
          %add3A_426 = vector.broadcast %add3A_425 : i32 to vector<16xi32>
          %add3A_427 = arith.addi %add3A_426, %iota3A : vector<16xi32>
          %gather3A_428 = tpu.vector_load_idx %arg13[%add3A_427, %and3A_409] : memref<816x32xf32, #tpu.memory_space<vmem>>[vector<16xi32>, vector<16xi32>], vector<16xf32>,
          %jit3A = arith.constant 0.000000e+00 : f32
          %broadcast_in_dim3A_429 = vector.broadcast %jit3A : f32 to vector<16xf32>
          %select_n3A = arith.select %lt3A_172, %gather3A_428, %broadcast_in_dim3A_429 : vector<16xi1>, vector<16xf32>
          %mul3A_430 = arith.mulf %gather3A_410, %gather3A_413 : vector<16xf32>
          %add3A_431 = arith.addf %scan3A_398, %mul3A_430 : vector<16xf32>
          %mul3A_432 = arith.mulf %gather3A_410, %gather3A_418 : vector<16xf32>
          %add3A_433 = arith.addf %scan3A_399, %mul3A_432 : vector<16xf32>
          %mul3A_434 = arith.mulf %gather3A_410, %gather3A_423 : vector<16xf32>
          %add3A_435 = arith.addf %scan3A_400, %mul3A_434 : vector<16xf32>
          %mul3A_436 = arith.mulf %gather3A_410, %select_n3A : vector<16xf32>
          %add3A_437 = arith.addf %scan3A_401, %mul3A_436 : vector<16xf32>
          %mul3A_438 = arith.mulf %gather3A_413, %gather3A_413 : vector<16xf32>
          %add3A_439 = arith.addf %scan3A_402, %mul3A_438 : vector<16xf32>
          %mul3A_440 = arith.mulf %gather3A_418, %gather3A_418 : vector<16xf32>
          %add3A_441 = arith.addf %scan3A_403, %mul3A_440 : vector<16xf32>
          %mul3A_442 = arith.mulf %gather3A_423, %gather3A_423 : vector<16xf32>
          %add3A_443 = arith.addf %scan3A_404, %mul3A_442 : vector<16xf32>
          %mul3A_444 = arith.mulf %select_n3A, %select_n3A : vector<16xf32>
          %add3A_445 = arith.addf %scan3A_405, %mul3A_444 : vector<16xf32>
          %scan3A_446 = arith.constant 1 : i32
          %scan3A_447 = arith.addi %scan3A_397, %scan3A_446 : i32
          %add3A_448 = vector.broadcast %scan3A_447 : i32 to vector<16xi32>
          %add3A_449 = arith.addi %iota3A, %add3A_448 : vector<16xi32>
          %and3A_450 = arith.constant 31 : i32
          %and3A_451 = vector.broadcast %and3A_450 : i32 to vector<16xi32>
          %and3A_452 = arith.andi %add3A_449, %and3A_451 : vector<16xi32>
          %gather3A_453 = tpu.vector_load_idx %arg10[%add3A_372, %and3A_452] : memref<512x32xf32, #tpu.memory_space<vmem>>[vector<16xi32>, vector<16xi32>], vector<16xf32>,
          %add3A_454 = vector.broadcast %mul3A_368 : i32 to vector<16xi32>
          %add3A_455 = arith.addi %add3A_454, %iota3A : vector<16xi32>
          %gather3A_456 = tpu.vector_load_idx %arg13[%add3A_455, %and3A_452] : memref<816x32xf32, #tpu.memory_space<vmem>>[vector<16xi32>, vector<16xi32>], vector<16xf32>,
          %add3A_457 = arith.constant 16 : i32
          %add3A_458 = arith.addi %mul3A_368, %add3A_457 : i32
          %add3A_459 = vector.broadcast %add3A_458 : i32 to vector<16xi32>
          %add3A_460 = arith.addi %add3A_459, %iota3A : vector<16xi32>
          %gather3A_461 = tpu.vector_load_idx %arg13[%add3A_460, %and3A_452] : memref<816x32xf32, #tpu.memory_space<vmem>>[vector<16xi32>, vector<16xi32>], vector<16xf32>,
          %add3A_462 = arith.constant 32 : i32
          %add3A_463 = arith.addi %mul3A_368, %add3A_462 : i32
          %add3A_464 = vector.broadcast %add3A_463 : i32 to vector<16xi32>
          %add3A_465 = arith.addi %add3A_464, %iota3A : vector<16xi32>
          %gather3A_466 = tpu.vector_load_idx %arg13[%add3A_465, %and3A_452] : memref<816x32xf32, #tpu.memory_space<vmem>>[vector<16xi32>, vector<16xi32>], vector<16xf32>,
          %add3A_467 = arith.constant 48 : i32
          %add3A_468 = arith.addi %mul3A_368, %add3A_467 : i32
          %add3A_469 = vector.broadcast %add3A_468 : i32 to vector<16xi32>
          %add3A_470 = arith.addi %add3A_469, %iota3A : vector<16xi32>
          %gather3A_471 = tpu.vector_load_idx %arg13[%add3A_470, %and3A_452] : memref<816x32xf32, #tpu.memory_space<vmem>>[vector<16xi32>, vector<16xi32>], vector<16xf32>,
          %jit3A_472 = arith.constant 0.000000e+00 : f32
          %broadcast_in_dim3A_473 = vector.broadcast %jit3A_472 : f32 to vector<16xf32>
          %select_n3A_474 = arith.select %lt3A_172, %gather3A_471, %broadcast_in_dim3A_473 : vector<16xi1>, vector<16xf32>
          %mul3A_475 = arith.mulf %gather3A_453, %gather3A_456 : vector<16xf32>
          %add3A_476 = arith.addf %add3A_431, %mul3A_475 : vector<16xf32>
          %mul3A_477 = arith.mulf %gather3A_453, %gather3A_461 : vector<16xf32>
          %add3A_478 = arith.addf %add3A_433, %mul3A_477 : vector<16xf32>
          %mul3A_479 = arith.mulf %gather3A_453, %gather3A_466 : vector<16xf32>
          %add3A_480 = arith.addf %add3A_435, %mul3A_479 : vector<16xf32>
          %mul3A_481 = arith.mulf %gather3A_453, %select_n3A_474 : vector<16xf32>
          %add3A_482 = arith.addf %add3A_437, %mul3A_481 : vector<16xf32>
          %mul3A_483 = arith.mulf %gather3A_456, %gather3A_456 : vector<16xf32>
          %add3A_484 = arith.addf %add3A_439, %mul3A_483 : vector<16xf32>
          %mul3A_485 = arith.mulf %gather3A_461, %gather3A_461 : vector<16xf32>
          %add3A_486 = arith.addf %add3A_441, %mul3A_485 : vector<16xf32>
          %mul3A_487 = arith.mulf %gather3A_466, %gather3A_466 : vector<16xf32>
          %add3A_488 = arith.addf %add3A_443, %mul3A_487 : vector<16xf32>
          %mul3A_489 = arith.mulf %select_n3A_474, %select_n3A_474 : vector<16xf32>
          %add3A_490 = arith.addf %add3A_445, %mul3A_489 : vector<16xf32>
          %scan3A_491 = arith.constant 2 : i32
          %scan3A_492 = arith.addi %scan3A_397, %scan3A_491 : i32
          %add3A_493 = vector.broadcast %scan3A_492 : i32 to vector<16xi32>
          %add3A_494 = arith.addi %iota3A, %add3A_493 : vector<16xi32>
          %and3A_495 = arith.constant 31 : i32
          %and3A_496 = vector.broadcast %and3A_495 : i32 to vector<16xi32>
          %and3A_497 = arith.andi %add3A_494, %and3A_496 : vector<16xi32>
          %gather3A_498 = tpu.vector_load_idx %arg10[%add3A_372, %and3A_497] : memref<512x32xf32, #tpu.memory_space<vmem>>[vector<16xi32>, vector<16xi32>], vector<16xf32>,
          %add3A_499 = vector.broadcast %mul3A_368 : i32 to vector<16xi32>
          %add3A_500 = arith.addi %add3A_499, %iota3A : vector<16xi32>
          %gather3A_501 = tpu.vector_load_idx %arg13[%add3A_500, %and3A_497] : memref<816x32xf32, #tpu.memory_space<vmem>>[vector<16xi32>, vector<16xi32>], vector<16xf32>,
          %add3A_502 = arith.constant 16 : i32
          %add3A_503 = arith.addi %mul3A_368, %add3A_502 : i32
          %add3A_504 = vector.broadcast %add3A_503 : i32 to vector<16xi32>
          %add3A_505 = arith.addi %add3A_504, %iota3A : vector<16xi32>
          %gather3A_506 = tpu.vector_load_idx %arg13[%add3A_505, %and3A_497] : memref<816x32xf32, #tpu.memory_space<vmem>>[vector<16xi32>, vector<16xi32>], vector<16xf32>,
          %add3A_507 = arith.constant 32 : i32
          %add3A_508 = arith.addi %mul3A_368, %add3A_507 : i32
          %add3A_509 = vector.broadcast %add3A_508 : i32 to vector<16xi32>
          %add3A_510 = arith.addi %add3A_509, %iota3A : vector<16xi32>
          %gather3A_511 = tpu.vector_load_idx %arg13[%add3A_510, %and3A_497] : memref<816x32xf32, #tpu.memory_space<vmem>>[vector<16xi32>, vector<16xi32>], vector<16xf32>,
          %add3A_512 = arith.constant 48 : i32
          %add3A_513 = arith.addi %mul3A_368, %add3A_512 : i32
          %add3A_514 = vector.broadcast %add3A_513 : i32 to vector<16xi32>
          %add3A_515 = arith.addi %add3A_514, %iota3A : vector<16xi32>
          %gather3A_516 = tpu.vector_load_idx %arg13[%add3A_515, %and3A_497] : memref<816x32xf32, #tpu.memory_space<vmem>>[vector<16xi32>, vector<16xi32>], vector<16xf32>,
          %jit3A_517 = arith.constant 0.000000e+00 : f32
          %broadcast_in_dim3A_518 = vector.broadcast %jit3A_517 : f32 to vector<16xf32>
          %select_n3A_519 = arith.select %lt3A_172, %gather3A_516, %broadcast_in_dim3A_518 : vector<16xi1>, vector<16xf32>
          %mul3A_520 = arith.mulf %gather3A_498, %gather3A_501 : vector<16xf32>
          %add3A_521 = arith.addf %add3A_476, %mul3A_520 : vector<16xf32>
          %mul3A_522 = arith.mulf %gather3A_498, %gather3A_506 : vector<16xf32>
          %add3A_523 = arith.addf %add3A_478, %mul3A_522 : vector<16xf32>
          %mul3A_524 = arith.mulf %gather3A_498, %gather3A_511 : vector<16xf32>
          %add3A_525 = arith.addf %add3A_480, %mul3A_524 : vector<16xf32>
          %mul3A_526 = arith.mulf %gather3A_498, %select_n3A_519 : vector<16xf32>
          %add3A_527 = arith.addf %add3A_482, %mul3A_526 : vector<16xf32>
          %mul3A_528 = arith.mulf %gather3A_501, %gather3A_501 : vector<16xf32>
          %add3A_529 = arith.addf %add3A_484, %mul3A_528 : vector<16xf32>
          %mul3A_530 = arith.mulf %gather3A_506, %gather3A_506 : vector<16xf32>
          %add3A_531 = arith.addf %add3A_486, %mul3A_530 : vector<16xf32>
          %mul3A_532 = arith.mulf %gather3A_511, %gather3A_511 : vector<16xf32>
          %add3A_533 = arith.addf %add3A_488, %mul3A_532 : vector<16xf32>
          %mul3A_534 = arith.mulf %select_n3A_519, %select_n3A_519 : vector<16xf32>
          %add3A_535 = arith.addf %add3A_490, %mul3A_534 : vector<16xf32>
          %scan3A_536 = arith.constant 3 : i32
          %scan3A_537 = arith.addi %scan3A_397, %scan3A_536 : i32
          %add3A_538 = vector.broadcast %scan3A_537 : i32 to vector<16xi32>
          %add3A_539 = arith.addi %iota3A, %add3A_538 : vector<16xi32>
          %and3A_540 = arith.constant 31 : i32
          %and3A_541 = vector.broadcast %and3A_540 : i32 to vector<16xi32>
          %and3A_542 = arith.andi %add3A_539, %and3A_541 : vector<16xi32>
          %gather3A_543 = tpu.vector_load_idx %arg10[%add3A_372, %and3A_542] : memref<512x32xf32, #tpu.memory_space<vmem>>[vector<16xi32>, vector<16xi32>], vector<16xf32>,
          %add3A_544 = vector.broadcast %mul3A_368 : i32 to vector<16xi32>
          %add3A_545 = arith.addi %add3A_544, %iota3A : vector<16xi32>
          %gather3A_546 = tpu.vector_load_idx %arg13[%add3A_545, %and3A_542] : memref<816x32xf32, #tpu.memory_space<vmem>>[vector<16xi32>, vector<16xi32>], vector<16xf32>,
          %add3A_547 = arith.constant 16 : i32
          %add3A_548 = arith.addi %mul3A_368, %add3A_547 : i32
          %add3A_549 = vector.broadcast %add3A_548 : i32 to vector<16xi32>
          %add3A_550 = arith.addi %add3A_549, %iota3A : vector<16xi32>
          %gather3A_551 = tpu.vector_load_idx %arg13[%add3A_550, %and3A_542] : memref<816x32xf32, #tpu.memory_space<vmem>>[vector<16xi32>, vector<16xi32>], vector<16xf32>,
          %add3A_552 = arith.constant 32 : i32
          %add3A_553 = arith.addi %mul3A_368, %add3A_552 : i32
          %add3A_554 = vector.broadcast %add3A_553 : i32 to vector<16xi32>
          %add3A_555 = arith.addi %add3A_554, %iota3A : vector<16xi32>
          %gather3A_556 = tpu.vector_load_idx %arg13[%add3A_555, %and3A_542] : memref<816x32xf32, #tpu.memory_space<vmem>>[vector<16xi32>, vector<16xi32>], vector<16xf32>,
          %add3A_557 = arith.constant 48 : i32
          %add3A_558 = arith.addi %mul3A_368, %add3A_557 : i32
          %add3A_559 = vector.broadcast %add3A_558 : i32 to vector<16xi32>
          %add3A_560 = arith.addi %add3A_559, %iota3A : vector<16xi32>
          %gather3A_561 = tpu.vector_load_idx %arg13[%add3A_560, %and3A_542] : memref<816x32xf32, #tpu.memory_space<vmem>>[vector<16xi32>, vector<16xi32>], vector<16xf32>,
          %jit3A_562 = arith.constant 0.000000e+00 : f32
          %broadcast_in_dim3A_563 = vector.broadcast %jit3A_562 : f32 to vector<16xf32>
          %select_n3A_564 = arith.select %lt3A_172, %gather3A_561, %broadcast_in_dim3A_563 : vector<16xi1>, vector<16xf32>
          %mul3A_565 = arith.mulf %gather3A_543, %gather3A_546 : vector<16xf32>
          %add3A_566 = arith.addf %add3A_521, %mul3A_565 : vector<16xf32>
          %mul3A_567 = arith.mulf %gather3A_543, %gather3A_551 : vector<16xf32>
          %add3A_568 = arith.addf %add3A_523, %mul3A_567 : vector<16xf32>
          %mul3A_569 = arith.mulf %gather3A_543, %gather3A_556 : vector<16xf32>
          %add3A_570 = arith.addf %add3A_525, %mul3A_569 : vector<16xf32>
          %mul3A_571 = arith.mulf %gather3A_543, %select_n3A_564 : vector<16xf32>
          %add3A_572 = arith.addf %add3A_527, %mul3A_571 : vector<16xf32>
          %mul3A_573 = arith.mulf %gather3A_546, %gather3A_546 : vector<16xf32>
          %add3A_574 = arith.addf %add3A_529, %mul3A_573 : vector<16xf32>
          %mul3A_575 = arith.mulf %gather3A_551, %gather3A_551 : vector<16xf32>
          %add3A_576 = arith.addf %add3A_531, %mul3A_575 : vector<16xf32>
          %mul3A_577 = arith.mulf %gather3A_556, %gather3A_556 : vector<16xf32>
          %add3A_578 = arith.addf %add3A_533, %mul3A_577 : vector<16xf32>
          %mul3A_579 = arith.mulf %select_n3A_564, %select_n3A_564 : vector<16xf32>
          %add3A_580 = arith.addf %add3A_535, %mul3A_579 : vector<16xf32>
          scf.yield %add3A_566, %add3A_568, %add3A_570, %add3A_572, %add3A_574, %add3A_576, %add3A_578, %add3A_580 : vector<16xf32>, vector<16xf32>, vector<16xf32>, vector<16xf32>, vector<16xf32>, vector<16xf32>, vector<16xf32>, vector<16xf32>
        }
        %scan3A_378 = arith.constant 32 : i32
        %swap3A_379 = arith.index_cast %mul3A_370 : i32 to index
        %swap3A_380 = tpu.vector_load %arg15[%swap3A_379] {strides = array<i32>} : memref<1040xf32, #tpu.memory_space<vmem>>, vector<16xf32>,
        tpu.vector_store %arg15[%swap3A_379], %scan3A_377#0 {strides = array<i32>} : memref<1040xf32, #tpu.memory_space<vmem>>, vector<16xf32>,
        %add3A_381 = arith.constant 16 : i32
        %add3A_382 = arith.addi %mul3A_370, %add3A_381 : i32
        %swap3A_383 = arith.index_cast %add3A_382 : i32 to index
        %swap3A_384 = tpu.vector_load %arg15[%swap3A_383] {strides = array<i32>} : memref<1040xf32, #tpu.memory_space<vmem>>, vector<16xf32>,
        tpu.vector_store %arg15[%swap3A_383], %scan3A_377#1 {strides = array<i32>} : memref<1040xf32, #tpu.memory_space<vmem>>, vector<16xf32>,
        %add3A_385 = arith.constant 32 : i32
        %add3A_386 = arith.addi %mul3A_370, %add3A_385 : i32
        %swap3A_387 = arith.index_cast %add3A_386 : i32 to index
        %swap3A_388 = tpu.vector_load %arg15[%swap3A_387] {strides = array<i32>} : memref<1040xf32, #tpu.memory_space<vmem>>, vector<16xf32>,
        tpu.vector_store %arg15[%swap3A_387], %scan3A_377#2 {strides = array<i32>} : memref<1040xf32, #tpu.memory_space<vmem>>, vector<16xf32>,
        %add3A_389 = arith.constant 48 : i32
        %add3A_390 = arith.addi %mul3A_370, %add3A_389 : i32
        %swap3A_391 = arith.index_cast %add3A_390 : i32 to index
        %swap3A_392 = tpu.vector_load %arg15[%swap3A_391] {strides = array<i32>} : memref<1040xf32, #tpu.memory_space<vmem>>, vector<16xf32>,
        tpu.vector_store %arg15[%swap3A_391], %scan3A_377#3 {strides = array<i32>} : memref<1040xf32, #tpu.memory_space<vmem>>, vector<16xf32>,
        %add3A_393 = arith.addf %scan3A_377#4, %scan3A_377#5 : vector<16xf32>
        %add3A_394 = arith.addf %add3A_364, %add3A_393 : vector<16xf32>
        %add3A_395 = arith.addf %scan3A_377#6, %scan3A_377#7 : vector<16xf32>
        %add3A_396 = arith.addf %add3A_366, %add3A_395 : vector<16xf32>
        scf.yield %add3A_394, %add3A_396 : vector<16xf32>, vector<16xf32>
      }
      %scan3A_284 = arith.constant 16 : i32
      %mul3A_285 = arith.constant 65 : i32
      %mul3A_286 = vector.broadcast %mul3A_285 : i32 to vector<16xi32>
      %mul3A_287 = arith.muli %iota3A, %mul3A_286 : vector<16xi32>
      %sub3A_288 = arith.constant 3.000000e+38 : f32
      %sub3A_289 = vector.broadcast %sub3A_288 : f32 to vector<16xf32>
      %sub3A_290 = arith.subf %broadcast_in_dim3A_3, %sub3A_289 : vector<16xf32>
      %scan3A_291 = arith.constant 0 : i32
      %scan3A_292 = arith.constant 48 : i32
      %scan3A_293 = arith.addi %scan3A_291, %scan3A_292 : i32
      %scan3A_294 = arith.constant 4 : i32
      %scan3A_295 = scf.for %scan3A_351 = %scan3A_291 to %scan3A_293 step %scan3A_294 iter_args(%scan3A_352 = %sub3A_290) -> (vector<16xf32>)  : i32 {
        %add3A_353 = vector.broadcast %scan3A_351 : i32 to vector<16xi32>
        %add3A_354 = arith.addi %mul3A_287, %add3A_353 : vector<16xi32>
        %gather3A_355 = tpu.vector_load_idx %arg15[%add3A_354] : memref<1040xf32, #tpu.memory_space<vmem>>[vector<16xi32>], vector<16xf32>,
        %max3A_356 = arith.maximumf %scan3A_352, %gather3A_355 : vector<16xf32>
        %scan3A_357 = arith.constant 1 : i32
        %scan3A_358 = arith.addi %scan3A_351, %scan3A_357 : i32
        %add3A_359 = vector.broadcast %scan3A_358 : i32 to vector<16xi32>
        %add3A_360 = arith.addi %mul3A_287, %add3A_359 : vector<16xi32>
        %gather3A_361 = tpu.vector_load_idx %arg15[%add3A_360] : memref<1040xf32, #tpu.memory_space<vmem>>[vector<16xi32>], vector<16xf32>,
        %max3A_362 = arith.maximumf %max3A_356, %gather3A_361 : vector<16xf32>
        %scan3A_363 = arith.constant 2 : i32
        %scan3A_364 = arith.addi %scan3A_351, %scan3A_363 : i32
        %add3A_365 = vector.broadcast %scan3A_364 : i32 to vector<16xi32>
        %add3A_366 = arith.addi %mul3A_287, %add3A_365 : vector<16xi32>
        %gather3A_367 = tpu.vector_load_idx %arg15[%add3A_366] : memref<1040xf32, #tpu.memory_space<vmem>>[vector<16xi32>], vector<16xf32>,
        %max3A_368 = arith.maximumf %max3A_362, %gather3A_367 : vector<16xf32>
        %scan3A_369 = arith.constant 3 : i32
        %scan3A_370 = arith.addi %scan3A_351, %scan3A_369 : i32
        %add3A_371 = vector.broadcast %scan3A_370 : i32 to vector<16xi32>
        %add3A_372 = arith.addi %mul3A_287, %add3A_371 : vector<16xi32>
        %gather3A_373 = tpu.vector_load_idx %arg15[%add3A_372] : memref<1040xf32, #tpu.memory_space<vmem>>[vector<16xi32>], vector<16xf32>,
        %max3A_374 = arith.maximumf %max3A_368, %gather3A_373 : vector<16xf32>
        scf.yield %max3A_374 : vector<16xf32>
      }
      %scan3A_296 = arith.constant 48 : i32
      %scan3A_297 = arith.addi %scan3A_291, %scan3A_296 : i32
      %add3A_298 = vector.broadcast %scan3A_297 : i32 to vector<16xi32>
      %add3A_299 = arith.addi %mul3A_287, %add3A_298 : vector<16xi32>
      %gather3A_300 = tpu.vector_load_idx %arg15[%add3A_299] : memref<1040xf32, #tpu.memory_space<vmem>>[vector<16xi32>], vector<16xf32>,
      %max3A_301 = arith.maximumf %scan3A_295, %gather3A_300 : vector<16xf32>
      %scan3A_302 = arith.constant 49 : i32
      %scan3A_303 = arith.addi %scan3A_291, %scan3A_302 : i32
      %add3A_304 = vector.broadcast %scan3A_303 : i32 to vector<16xi32>
      %add3A_305 = arith.addi %mul3A_287, %add3A_304 : vector<16xi32>
      %gather3A_306 = tpu.vector_load_idx %arg15[%add3A_305] : memref<1040xf32, #tpu.memory_space<vmem>>[vector<16xi32>], vector<16xf32>,
      %max3A_307 = arith.maximumf %max3A_301, %gather3A_306 : vector<16xf32>
      %scan3A_308 = arith.constant 50 : i32
      %scan3A_309 = arith.constant 0 : i32
      %scan3A_310 = arith.constant 48 : i32
      %scan3A_311 = arith.addi %scan3A_309, %scan3A_310 : i32
      %scan3A_312 = arith.constant 4 : i32
      %scan3A_313 = scf.for %scan3A_351 = %scan3A_309 to %scan3A_311 step %scan3A_312 iter_args(%scan3A_352 = %broadcast_in_dim3A_3) -> (vector<16xf32>)  : i32 {
        %add3A_353 = vector.broadcast %scan3A_351 : i32 to vector<16xi32>
        %add3A_354 = arith.addi %mul3A_287, %add3A_353 : vector<16xi32>
        %gather3A_355 = tpu.vector_load_idx %arg15[%add3A_354] : memref<1040xf32, #tpu.memory_space<vmem>>[vector<16xi32>], vector<16xf32>,
        %sub3A_356 = arith.subf %gather3A_355, %max3A_307 : vector<16xf32>
        %exp3A_357 = math.exp %sub3A_356 : vector<16xf32>
        %add3A_358 = arith.addf %scan3A_352, %exp3A_357 : vector<16xf32>
        %scan3A_359 = arith.constant 1 : i32
        %scan3A_360 = arith.addi %scan3A_351, %scan3A_359 : i32
        %add3A_361 = vector.broadcast %scan3A_360 : i32 to vector<16xi32>
        %add3A_362 = arith.addi %mul3A_287, %add3A_361 : vector<16xi32>
        %gather3A_363 = tpu.vector_load_idx %arg15[%add3A_362] : memref<1040xf32, #tpu.memory_space<vmem>>[vector<16xi32>], vector<16xf32>,
        %sub3A_364 = arith.subf %gather3A_363, %max3A_307 : vector<16xf32>
        %exp3A_365 = math.exp %sub3A_364 : vector<16xf32>
        %add3A_366 = arith.addf %add3A_358, %exp3A_365 : vector<16xf32>
        %scan3A_367 = arith.constant 2 : i32
        %scan3A_368 = arith.addi %scan3A_351, %scan3A_367 : i32
        %add3A_369 = vector.broadcast %scan3A_368 : i32 to vector<16xi32>
        %add3A_370 = arith.addi %mul3A_287, %add3A_369 : vector<16xi32>
        %gather3A_371 = tpu.vector_load_idx %arg15[%add3A_370] : memref<1040xf32, #tpu.memory_space<vmem>>[vector<16xi32>], vector<16xf32>,
        %sub3A_372 = arith.subf %gather3A_371, %max3A_307 : vector<16xf32>
        %exp3A_373 = math.exp %sub3A_372 : vector<16xf32>
        %add3A_374 = arith.addf %add3A_366, %exp3A_373 : vector<16xf32>
        %scan3A_375 = arith.constant 3 : i32
        %scan3A_376 = arith.addi %scan3A_351, %scan3A_375 : i32
        %add3A_377 = vector.broadcast %scan3A_376 : i32 to vector<16xi32>
        %add3A_378 = arith.addi %mul3A_287, %add3A_377 : vector<16xi32>
        %gather3A_379 = tpu.vector_load_idx %arg15[%add3A_378] : memref<1040xf32, #tpu.memory_space<vmem>>[vector<16xi32>], vector<16xf32>,
        %sub3A_380 = arith.subf %gather3A_379, %max3A_307 : vector<16xf32>
        %exp3A_381 = math.exp %sub3A_380 : vector<16xf32>
        %add3A_382 = arith.addf %add3A_374, %exp3A_381 : vector<16xf32>
        scf.yield %add3A_382 : vector<16xf32>
      }
      %scan3A_314 = arith.constant 48 : i32
      %scan3A_315 = arith.addi %scan3A_309, %scan3A_314 : i32
      %add3A_316 = vector.broadcast %scan3A_315 : i32 to vector<16xi32>
      %add3A_317 = arith.addi %mul3A_287, %add3A_316 : vector<16xi32>
      %gather3A_318 = tpu.vector_load_idx %arg15[%add3A_317] : memref<1040xf32, #tpu.memory_space<vmem>>[vector<16xi32>], vector<16xf32>,
      %sub3A_319 = arith.subf %gather3A_318, %max3A_307 : vector<16xf32>
      %exp3A_320 = math.exp %sub3A_319 : vector<16xf32>
      %add3A_321 = arith.addf %scan3A_313, %exp3A_320 : vector<16xf32>
      %scan3A_322 = arith.constant 49 : i32
      %scan3A_323 = arith.addi %scan3A_309, %scan3A_322 : i32
      %add3A_324 = vector.broadcast %scan3A_323 : i32 to vector<16xi32>
      %add3A_325 = arith.addi %mul3A_287, %add3A_324 : vector<16xi32>
      %gather3A_326 = tpu.vector_load_idx %arg15[%add3A_325] : memref<1040xf32, #tpu.memory_space<vmem>>[vector<16xi32>], vector<16xf32>,
      %sub3A_327 = arith.subf %gather3A_326, %max3A_307 : vector<16xf32>
      %exp3A_328 = math.exp %sub3A_327 : vector<16xf32>
      %add3A_329 = arith.addf %add3A_321, %exp3A_328 : vector<16xf32>
      %scan3A_330 = arith.constant 50 : i32
      %mul3A_331 = arith.constant 16 : i32
      %mul3A_332 = arith.muli %add3A_278, %mul3A_331 : i32
      %get3A_333 = arith.index_cast %mul3A_332 : i32 to index
      %get3A_334 = tpu.vector_load %arg14[%get3A_333] {strides = array<i32>} : memref<512xi32, #tpu.memory_space<vmem>>, vector<16xi32>,
      %add3A_335 = arith.addi %mul3A_287, %get3A_334 : vector<16xi32>
      %gather3A_336 = tpu.vector_load_idx %arg15[%add3A_335] : memref<1040xf32, #tpu.memory_space<vmem>>[vector<16xi32>], vector<16xf32>,
      %sub3A_337 = arith.subf %gather3A_336, %max3A_307 : vector<16xf32>
      %exp3A_338 = math.exp %sub3A_337 : vector<16xf32>
      %div3A_339 = arith.divf %exp3A_338, %add3A_329 : vector<16xf32>
      %mul3A_340 = arith.constant 16 : i32
      %mul3A_341 = arith.muli %add3A_278, %mul3A_340 : i32
      %swap3A_342 = arith.index_cast %mul3A_341 : i32 to index
      %swap3A_343 = tpu.vector_load %arg16[%swap3A_342] {strides = array<i32>} : memref<512xf32, #tpu.memory_space<vmem>>, vector<16xf32>,
      tpu.vector_store %arg16[%swap3A_342], %div3A_339 {strides = array<i32>} : memref<512xf32, #tpu.memory_space<vmem>>, vector<16xf32>,
      %add3A_344 = arith.constant 3 : i32
      %add3A_345 = arith.addi %mul3A_188, %add3A_344 : i32
      %lt3A_346 = arith.constant 32 : i32
      %lt3A_347 = arith.cmpi slt, %add3A_345, %lt3A_346 : i32
      %convert_element_type3A_348 = arith.extui %lt3A_347 : i1 to i32
      %cond3A_349 = arith.constant 0 : i32
      %cond3A_350 = arith.cmpi ne, %convert_element_type3A_348, %cond3A_349 : i32
      scf.if %cond3A_350 {
        %add3A_351 = arith.constant 3 : i32
        %add3A_352 = arith.addi %mul3A_188, %add3A_351 : i32
        %mul3A_353 = arith.constant 800 : i32
        %mul3A_354 = arith.muli %add3A_352, %mul3A_353 : i32
        %add3A_355 = arith.constant 0 : i32
        %add3A_356 = arith.addi %mul3A_354, %add3A_355 : i32
        %multiple_of3A_357 = tpu.assume_multiple %add3A_356, 32 : i32
        %dma_start3A_358 = arith.constant 0 : i32
        %dma_start3A_359 = arith.constant 0 : i32
        %dma_start3A_360 = tpu.memref_slice %arg13[%dma_start3A_358, %dma_start3A_359] : memref<816x32xf32, #tpu.memory_space<vmem>> -> memref<128x32xf32, #tpu.memory_space<vmem>>
        %dma_start3A_361 = tpu.memref_slice %arg11[%multiple_of3A_357] : memref<25600xi32, #tpu.memory_space<vmem>> -> memref<128xi32, #tpu.memory_space<vmem>>
        %dma_start3A_362 = arith.constant 0 : i32
        %dma_start3A_363 = arith.constant 0 : i32
        %dma_start3A_364 = tpu.memref_slice %arg6[%dma_start3A_362, %dma_start3A_363] : memref<1000000x32xf32, #tpu.memory_space<hbm>> -> memref<1000000x32xf32, #tpu.memory_space<hbm>>
        tpu.enqueue_indirect_dma source(%dma_start3A_364 : memref<1000000x32xf32, #tpu.memory_space<hbm>>) target(%dma_start3A_360 : memref<128x32xf32, #tpu.memory_space<vmem>>) offsets(%dma_start3A_361 : memref<128xi32, #tpu.memory_space<vmem>>) semaphore(%arg20 : memref<!tpu.dma_semaphore, #tpu.memory_space<semaphore_mem>>)
        %mul3A_365 = arith.constant 800 : i32
        %mul3A_366 = arith.muli %add3A_352, %mul3A_365 : i32
        %add3A_367 = arith.constant 128 : i32
        %add3A_368 = arith.addi %mul3A_366, %add3A_367 : i32
        %multiple_of3A_369 = tpu.assume_multiple %add3A_368, 32 : i32
        %dma_start3A_370 = arith.constant 128 : i32
        %dma_start3A_371 = arith.constant 0 : i32
        %dma_start3A_372 = tpu.memref_slice %arg13[%dma_start3A_370, %dma_start3A_371] : memref<816x32xf32, #tpu.memory_space<vmem>> -> memref<128x32xf32, #tpu.memory_space<vmem>>
        %dma_start3A_373 = tpu.memref_slice %arg11[%multiple_of3A_369] : memref<25600xi32, #tpu.memory_space<vmem>> -> memref<128xi32, #tpu.memory_space<vmem>>
        %dma_start3A_374 = arith.constant 0 : i32
        %dma_start3A_375 = arith.constant 0 : i32
        %dma_start3A_376 = tpu.memref_slice %arg6[%dma_start3A_374, %dma_start3A_375] : memref<1000000x32xf32, #tpu.memory_space<hbm>> -> memref<1000000x32xf32, #tpu.memory_space<hbm>>
        tpu.enqueue_indirect_dma source(%dma_start3A_376 : memref<1000000x32xf32, #tpu.memory_space<hbm>>) target(%dma_start3A_372 : memref<128x32xf32, #tpu.memory_space<vmem>>) offsets(%dma_start3A_373 : memref<128xi32, #tpu.memory_space<vmem>>) semaphore(%arg20 : memref<!tpu.dma_semaphore, #tpu.memory_space<semaphore_mem>>)
        %mul3A_377 = arith.constant 800 : i32
        %mul3A_378 = arith.muli %add3A_352, %mul3A_377 : i32
        %add3A_379 = arith.constant 256 : i32
        %add3A_380 = arith.addi %mul3A_378, %add3A_379 : i32
        %multiple_of3A_381 = tpu.assume_multiple %add3A_380, 32 : i32
        %dma_start3A_382 = arith.constant 256 : i32
        %dma_start3A_383 = arith.constant 0 : i32
        %dma_start3A_384 = tpu.memref_slice %arg13[%dma_start3A_382, %dma_start3A_383] : memref<816x32xf32, #tpu.memory_space<vmem>> -> memref<128x32xf32, #tpu.memory_space<vmem>>
        %dma_start3A_385 = tpu.memref_slice %arg11[%multiple_of3A_381] : memref<25600xi32, #tpu.memory_space<vmem>> -> memref<128xi32, #tpu.memory_space<vmem>>
        %dma_start3A_386 = arith.constant 0 : i32
        %dma_start3A_387 = arith.constant 0 : i32
        %dma_start3A_388 = tpu.memref_slice %arg6[%dma_start3A_386, %dma_start3A_387] : memref<1000000x32xf32, #tpu.memory_space<hbm>> -> memref<1000000x32xf32, #tpu.memory_space<hbm>>
        tpu.enqueue_indirect_dma source(%dma_start3A_388 : memref<1000000x32xf32, #tpu.memory_space<hbm>>) target(%dma_start3A_384 : memref<128x32xf32, #tpu.memory_space<vmem>>) offsets(%dma_start3A_385 : memref<128xi32, #tpu.memory_space<vmem>>) semaphore(%arg20 : memref<!tpu.dma_semaphore, #tpu.memory_space<semaphore_mem>>)
        %mul3A_389 = arith.constant 800 : i32
        %mul3A_390 = arith.muli %add3A_352, %mul3A_389 : i32
        %add3A_391 = arith.constant 384 : i32
        %add3A_392 = arith.addi %mul3A_390, %add3A_391 : i32
        %multiple_of3A_393 = tpu.assume_multiple %add3A_392, 32 : i32
        %dma_start3A_394 = arith.constant 384 : i32
        %dma_start3A_395 = arith.constant 0 : i32
        %dma_start3A_396 = tpu.memref_slice %arg13[%dma_start3A_394, %dma_start3A_395] : memref<816x32xf32, #tpu.memory_space<vmem>> -> memref<128x32xf32, #tpu.memory_space<vmem>>
        %dma_start3A_397 = tpu.memref_slice %arg11[%multiple_of3A_393] : memref<25600xi32, #tpu.memory_space<vmem>> -> memref<128xi32, #tpu.memory_space<vmem>>
        %dma_start3A_398 = arith.constant 0 : i32
        %dma_start3A_399 = arith.constant 0 : i32
        %dma_start3A_400 = tpu.memref_slice %arg6[%dma_start3A_398, %dma_start3A_399] : memref<1000000x32xf32, #tpu.memory_space<hbm>> -> memref<1000000x32xf32, #tpu.memory_space<hbm>>
        tpu.enqueue_indirect_dma source(%dma_start3A_400 : memref<1000000x32xf32, #tpu.memory_space<hbm>>) target(%dma_start3A_396 : memref<128x32xf32, #tpu.memory_space<vmem>>) offsets(%dma_start3A_397 : memref<128xi32, #tpu.memory_space<vmem>>) semaphore(%arg20 : memref<!tpu.dma_semaphore, #tpu.memory_space<semaphore_mem>>)
        %mul3A_401 = arith.constant 800 : i32
        %mul3A_402 = arith.muli %add3A_352, %mul3A_401 : i32
        %add3A_403 = arith.constant 512 : i32
        %add3A_404 = arith.addi %mul3A_402, %add3A_403 : i32
        %multiple_of3A_405 = tpu.assume_multiple %add3A_404, 32 : i32
        %dma_start3A_406 = arith.constant 512 : i32
        %dma_start3A_407 = arith.constant 0 : i32
        %dma_start3A_408 = tpu.memref_slice %arg13[%dma_start3A_406, %dma_start3A_407] : memref<816x32xf32, #tpu.memory_space<vmem>> -> memref<128x32xf32, #tpu.memory_space<vmem>>
        %dma_start3A_409 = tpu.memref_slice %arg11[%multiple_of3A_405] : memref<25600xi32, #tpu.memory_space<vmem>> -> memref<128xi32, #tpu.memory_space<vmem>>
        %dma_start3A_410 = arith.constant 0 : i32
        %dma_start3A_411 = arith.constant 0 : i32
        %dma_start3A_412 = tpu.memref_slice %arg6[%dma_start3A_410, %dma_start3A_411] : memref<1000000x32xf32, #tpu.memory_space<hbm>> -> memref<1000000x32xf32, #tpu.memory_space<hbm>>
        tpu.enqueue_indirect_dma source(%dma_start3A_412 : memref<1000000x32xf32, #tpu.memory_space<hbm>>) target(%dma_start3A_408 : memref<128x32xf32, #tpu.memory_space<vmem>>) offsets(%dma_start3A_409 : memref<128xi32, #tpu.memory_space<vmem>>) semaphore(%arg20 : memref<!tpu.dma_semaphore, #tpu.memory_space<semaphore_mem>>)
        %mul3A_413 = arith.constant 800 : i32
        %mul3A_414 = arith.muli %add3A_352, %mul3A_413 : i32
        %add3A_415 = arith.constant 640 : i32
        %add3A_416 = arith.addi %mul3A_414, %add3A_415 : i32
        %multiple_of3A_417 = tpu.assume_multiple %add3A_416, 32 : i32
        %dma_start3A_418 = arith.constant 640 : i32
        %dma_start3A_419 = arith.constant 0 : i32
        %dma_start3A_420 = tpu.memref_slice %arg13[%dma_start3A_418, %dma_start3A_419] : memref<816x32xf32, #tpu.memory_space<vmem>> -> memref<128x32xf32, #tpu.memory_space<vmem>>
        %dma_start3A_421 = tpu.memref_slice %arg11[%multiple_of3A_417] : memref<25600xi32, #tpu.memory_space<vmem>> -> memref<128xi32, #tpu.memory_space<vmem>>
        %dma_start3A_422 = arith.constant 0 : i32
        %dma_start3A_423 = arith.constant 0 : i32
        %dma_start3A_424 = tpu.memref_slice %arg6[%dma_start3A_422, %dma_start3A_423] : memref<1000000x32xf32, #tpu.memory_space<hbm>> -> memref<1000000x32xf32, #tpu.memory_space<hbm>>
        tpu.enqueue_indirect_dma source(%dma_start3A_424 : memref<1000000x32xf32, #tpu.memory_space<hbm>>) target(%dma_start3A_420 : memref<128x32xf32, #tpu.memory_space<vmem>>) offsets(%dma_start3A_421 : memref<128xi32, #tpu.memory_space<vmem>>) semaphore(%arg20 : memref<!tpu.dma_semaphore, #tpu.memory_space<semaphore_mem>>)
        %mul3A_425 = arith.constant 800 : i32
        %mul3A_426 = arith.muli %add3A_352, %mul3A_425 : i32
        %add3A_427 = arith.constant 768 : i32
        %add3A_428 = arith.addi %mul3A_426, %add3A_427 : i32
        %multiple_of3A_429 = tpu.assume_multiple %add3A_428, 32 : i32
        %dma_start3A_430 = arith.constant 768 : i32
        %dma_start3A_431 = arith.constant 0 : i32
        %dma_start3A_432 = tpu.memref_slice %arg13[%dma_start3A_430, %dma_start3A_431] : memref<816x32xf32, #tpu.memory_space<vmem>> -> memref<32x32xf32, #tpu.memory_space<vmem>>
        %dma_start3A_433 = tpu.memref_slice %arg11[%multiple_of3A_429] : memref<25600xi32, #tpu.memory_space<vmem>> -> memref<32xi32, #tpu.memory_space<vmem>>
        %dma_start3A_434 = arith.constant 0 : i32
        %dma_start3A_435 = arith.constant 0 : i32
        %dma_start3A_436 = tpu.memref_slice %arg6[%dma_start3A_434, %dma_start3A_435] : memref<1000000x32xf32, #tpu.memory_space<hbm>> -> memref<1000000x32xf32, #tpu.memory_space<hbm>>
        tpu.enqueue_indirect_dma source(%dma_start3A_436 : memref<1000000x32xf32, #tpu.memory_space<hbm>>) target(%dma_start3A_432 : memref<32x32xf32, #tpu.memory_space<vmem>>) offsets(%dma_start3A_433 : memref<32xi32, #tpu.memory_space<vmem>>) semaphore(%arg20 : memref<!tpu.dma_semaphore, #tpu.memory_space<semaphore_mem>>)
      } else {
      }
      scf.yield %scan3A_283#0, %scan3A_283#1 : vector<16xf32>, vector<16xf32>
    }
    %scan3A_177 = arith.constant 16 : i32
    %add3A_178 = arith.addf %scan3A_176#0, %scan3A_176#1 : vector<16xf32>
    %add3A_179 = arith.addf %broadcast_in_dim3A_3, %broadcast_in_dim3A_3 : vector<16xf32>
    %add3A_180 = arith.addf %add3A_178, %add3A_179 : vector<16xf32>
    %swap3A = arith.constant 0 : index
    %swap3A_181 = tpu.vector_load %arg17[%swap3A] {strides = array<i32>} : memref<16xf32, #tpu.memory_space<vmem>>, vector<16xf32>,
    tpu.vector_store %arg17[%swap3A], %add3A_180 {strides = array<i32>} : memref<16xf32, #tpu.memory_space<vmem>>, vector<16xf32>,
    %mul3A_182 = arith.constant 16 : i32
    %mul3A_183 = arith.muli %add3A, %mul3A_182 : i32
    "tpu.region"() ({
      %run_scoped3A = tpu.sem_alloc : memref<!tpu.dma_semaphore, #tpu.memory_space<semaphore_mem>>
      %dma_start3A_184 = tpu.memref_slice %arg8[%mul3A_183] : memref<512xf32, #tpu.memory_space<hbm>> -> memref<16xf32, #tpu.memory_space<hbm>>
      %dma_start3A_185 = tpu.memref_slice %arg8[%mul3A_183] : memref<512xf32, #tpu.memory_space<hbm>> -> memref<16xf32, #tpu.memory_space<hbm>>
      tpu.enqueue_dma source(%arg17 : memref<16xf32, #tpu.memory_space<vmem>>) target(%dma_start3A_185 : memref<16xf32, #tpu.memory_space<hbm>>) target_semaphore(%run_scoped3A : memref<!tpu.dma_semaphore, #tpu.memory_space<semaphore_mem>>)
      %dma_wait3A_186 = tpu.memref_slice %arg8[%mul3A_183] : memref<512xf32, #tpu.memory_space<hbm>> -> memref<16xf32, #tpu.memory_space<hbm>>
      %dma_wait3A_187 = tpu.memref_slice %arg8[%mul3A_183] : memref<512xf32, #tpu.memory_space<hbm>> -> memref<16xf32, #tpu.memory_space<hbm>>
      tpu.wait_dma2 semaphore(%run_scoped3A : memref<!tpu.dma_semaphore, #tpu.memory_space<semaphore_mem>>) src(%arg17 : memref<16xf32, #tpu.memory_space<vmem>>) dst(%dma_wait3A_187 : memref<16xf32, #tpu.memory_space<hbm>>)
      tpu.yield
    }) : () -> ()
    "tpu.region"() ({
      %run_scoped3A = tpu.sem_alloc : memref<!tpu.dma_semaphore, #tpu.memory_space<semaphore_mem>>
      %dma_start3A_184 = tpu.memref_slice %arg7[%mul3A_2] : memref<16384xf32, #tpu.memory_space<hbm>> -> memref<512xf32, #tpu.memory_space<hbm>>
      %dma_start3A_185 = tpu.memref_slice %arg7[%mul3A_2] : memref<16384xf32, #tpu.memory_space<hbm>> -> memref<512xf32, #tpu.memory_space<hbm>>
      tpu.enqueue_dma source(%arg16 : memref<512xf32, #tpu.memory_space<vmem>>) target(%dma_start3A_185 : memref<512xf32, #tpu.memory_space<hbm>>) target_semaphore(%run_scoped3A : memref<!tpu.dma_semaphore, #tpu.memory_space<semaphore_mem>>)
      %dma_wait3A_186 = tpu.memref_slice %arg7[%mul3A_2] : memref<16384xf32, #tpu.memory_space<hbm>> -> memref<512xf32, #tpu.memory_space<hbm>>
      %dma_wait3A_187 = tpu.memref_slice %arg7[%mul3A_2] : memref<16384xf32, #tpu.memory_space<hbm>> -> memref<512xf32, #tpu.memory_space<hbm>>
      tpu.wait_dma2 semaphore(%run_scoped3A : memref<!tpu.dma_semaphore, #tpu.memory_space<semaphore_mem>>) src(%arg16 : memref<512xf32, #tpu.memory_space<vmem>>) dst(%dma_wait3A_187 : memref<512xf32, #tpu.memory_space<hbm>>)
      tpu.yield
    }) : () -> ()
    return
  }
}

</mosaic_0001>

<sc_bundles>
// kernel: _sc_call.3.cloned.1.call-start
scs
__scs_entry_jumppad:
0x0: {  	(pc) =	sbr.rel $0x88, $3  }
0x1: {  	(tag) =	ssettag $0x0;
	lr =	simm.s32 $0x1  }
0x2: {  	[smem:$0x3F9C] =	sst lr;
	_ =	strace $0xD0000000  }
0x3: {  	_ = 	snop  }
0x4: {  	_ = 	snop  }
0x5: {  	_ = 	snop  }
0x6: {  	_ = 	snop  }
0x7: {  	_ = 	snop  }
__scs_overlays_trampoline_lowered:
0x8: {  	[smem:$0x3FAB] =	sst s0  }
0x9: {  	[smem:$0x3FAC] =	sst s1  }
0xa: {  	[smem:$0x3FAD] =	sst s2  }
0xb: {  	[smem:$0x3FAE] =	sst s3  }
0xc: {  	[smem:$0x3FAF] =	sst s4  }
0xd: {  	[smem:$0x3FB0] =	sst s5  }
0xe: {  	[smem:$0x3FB1] =	sst s6  }
0xf: {  	[smem:$0x3FB2] =	sst s7  }
0x10: {  	[smem:$0x3FB3] =	sst s8  }
0x11: {  	[smem:$0x3FB4] =	sst s9;
	s0 =	simm.s32 @!p0 $0x0  }
0x12: {  	s1 =	sld [smem:$0x3F9A];
	s0 =	simm.s32 @p0 $0x1  }
0x13: {  	[smem:$0x3FB5] =	sst s0;
	s0 =	simm.s32 @!p1 $0x0  }
0x14: {  	s2 =	sld [smem:$0x3F99];
	s0 =	simm.s32 @p1 $0x1  }
0x15: {  	[smem:$0x3FB6] =	sst s0;
	s0 =	simm.s32 @!p2 $0x0  }
0x16: {  	s3 =	sld [smem:$0x3FDB];
	s0 =	simm.s32 @p2 $0x1  }
0x17: {  	s4 =	simm.s32 $0x1BF5;
	[smem:$0x3FB8] =	sst s0  }
0x18: {  	s0 =	sld [smem:$0x3F9B];
	_ =	swait.ge [sflag:s4], $0x0  }
0x19: {  	s7 =	sld [smem:$0x3F9C]  }
0x1a: {  	s8 =	sadd.s32 $0xFFFFE003, lr  }
0x1b: {  	s9 =	sadd.s32 $0xFFFFFEF7, lr;
	s5 =	simm.s32 $0xFFFFFFFF;
	p2 =	slt.u32 s8, $0xFFFFF086  }
0x1c: {  	p1 =	slt.u32 s9, $0xF7A;
	s5 =	simm.s32 @!p2 $0x0  }
0x1d: {  	s5 =	simm.s32 @p1 $0x1;
	p0 =	seq.s32 s7, s2  }
0x1e: {  	s7 =	smul.u32 @!p0 $0xF7A, s2;
	p2 =	seq.s32 @!p0 s5, $0x0  }
0x1f: {  	s9 =	smul.u32 $0xF7A, s1;
	s8 =	simm.s32 @!p0 $0x1BF5;
	p2 =	por !p2, p0  }
0x20: {  	[sflag:s8] =	ssyncset.s32 @!p0 $0xFFFFF086;
	s6 =	sadd.s32 @!p0 s3, s7;
	s7 =	simm.s32 @!p0 $0x108  }
0x21: {  	s3 =	sadd.s32 s3, s9;
	s6 =	sadd.s32 @!p0 $0x88, s6;
	s7 =	simm.s32 @p2 $0x1082  }
0x22: {  	[simem:s7], [sflag:s8] =	dma.local @!p0 [hbm:s6], $0xF7A  }
0x23: {  	s9 =	sor.u32 $0xD0000000, s2;
	s6 =	simm.s32 $0x108;
	_ =	swait.ge @!p0 [sflag:s8], $0x0  }
0x24: {  	s3 =	sadd.s32 $0x88, s3;
	s6 =	simm.s32 @!p1 $0x1082;
	[sflag:s4] =	ssyncset.s32 $0xFFFFF086  }
0x25: {  	[simem:s6], [sflag:s4] =	dma.local [hbm:s3], $0xF7A  }
0x26: {  	[smem:$0x3F9C] =	sst s1;
	(tag) =	ssettag s2;
	_ =	strace s9  }
0x27: {  	s1 =	sld [smem:$0x3FAC]  }
0x28: {  	s2 =	sld [smem:$0x3FAD]  }
0x29: {  	s4 =	sld [smem:$0x3FAF]  }
0x2a: {  	p0 =	seq.s32 s5, $0x0;
	s5 =	sld [smem:$0x3FB0]  }
0x2b: {  	s6 =	sld [smem:$0x3FB1]  }
0x2c: {  	s7 =	sld [smem:$0x3FB2]  }
0x2d: {  	s3 =	simm.s32 $0x108;
	s8 =	sld [smem:$0x3FB3]  }
0x2e: {  	s3 =	simm.s32 @!p0 $0x1082;
	s9 =	sld [smem:$0x3FB4]  }
0x2f: {  	lr =	sadd.s32 s0, s3;
	s0 =	sld [smem:$0x3FAB]  }
0x30: {  	s3 =	sld [smem:$0x3FAE]  }
0x31: {  	[smem:$0x3FB7] =	sst s10  }
0x32: {  	s10 =	sld [smem:$0x3FB5];
	_ =	sdelay $0x3  }
0x33: {  	p0 =	seq.s32 s10, $0x1;
	s10 =	sld [smem:$0x3FB7];
	_ =	sdelay $0x3  }
0x34: {  	[smem:$0x3FB7] =	sst s10  }
0x35: {  	s10 =	sld [smem:$0x3FB6];
	_ =	sdelay $0x3  }
0x36: {  	p1 =	seq.s32 s10, $0x1;
	s10 =	sld [smem:$0x3FB7];
	_ =	sdelay $0x3  }
0x37: {  	[smem:$0x3FB7] =	sst s10  }
0x38: {  	s10 =	sld [smem:$0x3FB8]  }
0x39: {  	_ = 	snop;
	(pc) =	sbr.ind lr, $3  }
0x3a: {  	_ = 	snop  }
0x3b: {  	_ = 	snop  }
0x3c: {  	p2 =	seq.s32 s10, $0x1;
	s10 =	sld [smem:$0x3FB7]  }
0x3d: {  	_ =	shalt  }
0x3e: {  	_ =	shalt  }
0x3f: {  	_ =	shalt  }
0x40: {  	_ =	shalt  }
0x41: {  	_ =	shalt  }
0x42: {  	_ =	shalt  }
0x43: {  	_ =	shalt  }
0x44: {  	_ =	shalt  }
0x45: {  	_ =	shalt  }
0x46: {  	_ =	shalt  }
0x47: {  	_ =	shalt  }
0x48: {  	_ =	shalt  }
0x49: {  	_ =	shalt  }
0x4a: {  	_ =	shalt  }
0x4b: {  	_ =	shalt  }
0x4c: {  	_ =	shalt  }
0x4d: {  	_ =	shalt  }
0x4e: {  	_ =	shalt  }
0x4f: {  	_ =	shalt  }
0x50: {  	_ =	shalt  }
0x51: {  	_ =	shalt  }
0x52: {  	_ =	shalt  }
0x53: {  	_ =	shalt  }
0x54: {  	_ =	shalt  }
0x55: {  	_ =	shalt  }
0x56: {  	_ =	shalt  }
0x57: {  	_ =	shalt  }
0x58: {  	_ =	shalt  }
0x59: {  	_ =	shalt  }
0x5a: {  	_ =	shalt  }
0x5b: {  	_ =	shalt  }
0x5c: {  	_ =	shalt  }
0x5d: {  	_ =	shalt  }
0x5e: {  	_ =	shalt  }
0x5f: {  	_ =	shalt  }
0x60: {  	_ =	shalt  }
0x61: {  	_ =	shalt  }
0x62: {  	_ =	shalt  }
0x63: {  	_ =	shalt  }
0x64: {  	_ =	shalt  }
0x65: {  	_ =	shalt  }
0x66: {  	_ =	shalt  }
0x67: {  	_ =	shalt  }
0x68: {  	_ =	shalt  }
0x69: {  	_ =	shalt  }
0x6a: {  	_ =	shalt  }
0x6b: {  	_ =	shalt  }
0x6c: {  	_ =	shalt  }
0x6d: {  	_ =	shalt  }
0x6e: {  	_ =	shalt  }
0x6f: {  	_ =	shalt  }
0x70: {  	_ =	shalt  }
0x71: {  	_ =	shalt  }
0x72: {  	_ =	shalt  }
0x73: {  	_ =	shalt  }
0x74: {  	_ =	shalt  }
0x75: {  	_ =	shalt  }
0x76: {  	_ =	shalt  }
0x77: {  	_ =	shalt  }
0x78: {  	_ =	shalt  }
0x79: {  	_ =	shalt  }
0x7a: {  	_ =	shalt  }
0x7b: {  	_ =	shalt  }
0x7c: {  	_ =	shalt  }
0x7d: {  	_ =	shalt  }
0x7e: {  	_ =	shalt  }
0x7f: {  	_ =	shalt  }
0x80: {  	_ =	shalt  }
0x81: {  	_ =	shalt  }
0x82: {  	_ =	shalt  }
0x83: {  	_ =	shalt  }
0x84: {  	_ =	shalt  }
0x85: {  	_ =	shalt  }
0x86: {  	_ =	shalt  }
0x87: {  	_ =	shalt  }
.Lfunc_end0:
.L_simem_size_0:
called_computation_lowered:
.L_overlay_start_0:
0x88: {  	s2 =	sld [smem:$0x3FD9]  }
0x89: {  	s3 =	sld [smem:$0x3FFE];
	_ =	sdelay $0x1  }
0x8a: {  	s1 =	srdreg.scid  }
0x8b: {  	s0 =	sand.u32 $0x1, s1  }
0x8c: {  	s14 =	sshll.u32 s0, $0xA;
	s2 =	sadd.s32 s3, s2  }
0x8d: {  	s2 =	sadd.s32 s2, s14  }
0x8e: {  	[smem:$0x3FC3] =	sst s2  }
0x8f: {  	_ = 	snop  }
0x90: {  	s2 =	sld [smem:$0x3FD0]  }
0x91: {  	s15 =	sld [smem:$0x3FC9]  }
0x92: {  	s4 =	sld [smem:$0x3FC8]  }
0x93: {  	s6 =	simm.s32 $0xA;
	s7 =	simm.s32 $0x10;
	s5 =	sld [smem:$0x3FC7]  }
0x94: {  	[smem:s7], [sflag:s6] =	dma.local [hbm:s2], $0x1  }
0x95: {  	_ =	swait.eq [sflag:s6], $0x1  }
0x96: {  	[sflag:s6] =	ssyncset.done $0x0  }
0x97: {  	s16 =	sld [smem:$0x10];
	[sflag:s6] =	ssyncadd.s32 $0xFFFFFFFF  }
0x98: {  	s17 =	sld [smem:$0x11];
	(tm) =	ssettm $0x1  }
0x99: {  	s18 =	sld [smem:$0x3FFB];
	_ =	sdelay $0x3  }
0x9a: {  	_ =	strace s18  }
0x9b: {  	s7 =	sld [smem:$0x3FFC];
	_ =	sdelay $0x3  }
0x9c: {  	_ =	strace s7  }
0x9d: {  	s7 =	sld [smem:$0x3FFD];
	_ =	sdelay $0x3  }
0x9e: {  	_ =	strace s7  }
0x9f: {  	_ =	strace $0x8FFFFFFF  }
0xa0: {  	s19 =	sld [smem:$0x3FDB];
	_ =	sdelay $0x1  }
0xa1: {  	s8 =	simm.s32 $_scs_section_size  }
0xa2: {  	s9 =	simm.s32 $_size__tile_overlayer_lowered;
	s10 =	simm.s32 $_tile_overlayer_lowered  }
0xa3: {  	s22 =	simm.s32 $0x1BFF;
	s21 =	sshll.u32 s10, $0x1;
	s7 =	sadd.s32 s8, s19  }
0xa4: {  	s11 =	simm.s32 $0x0;
	s20 =	sshll.u32 s9, $0x1;
	s9 =	sadd.s32 s21, s7  }
0xa5: {  	[timem:s11], [sflag:s22] =	dma.local [hbm:s9], s20  }
0xa6: {  	_ =	swait.ge [sflag:s22], s20  }
0xa7: {  	s8 =	ssub.s32 $0x0, s20;
	[sflag:s22] =	ssyncset.done $0x0  }
0xa8: {  	[sflag:s22] =	ssyncadd.s32 s8;
	_ =	sdelay $0x1  }
0xa9: {  	s23 =	simm.s32 $0x1B8B  }
0xaa: {  	_ =	swait.ge [sflag:s23], $0x1  }
0xab: {  	[sflag:s23] =	ssyncset.done $0x0  }
0xac: {  	s25 =	simm.s32 $0x1B8E;
	s24 =	sld [smem:$0x3FFE];
	[sflag:s23] =	ssyncadd.s32 $0xFFFFFFFF  }
0xad: {  	s26 =	simm.s32 $execute0_lowered;
	[smem:$0x3FD2] =	sst s25  }
0xae: {  	s9 =	sshll.u32 s26, $0x1;
	_ =	strace $0x80000046;
	[dreg:$0x1] =	wrdreg $0xFFFFFFFF  }
0xaf: {  	s28 =	simm.s32 $_size_execute0_lowered;
	s7 =	sadd.s32 s7, s9;
	[dreg:$0x0] =	wrdreg $0x0  }
0xb0: {  	s9 =	sshll.u32 s28, $0x1;
	[dreg:$0x2] =	wrdreg s7  }
0xb1: {  	[dreg:$0x3] =	wrdreg s9  }
0xb2: {  	[dreg:$0x4] =	wrdreg $0xC0  }
0xb3: {  	_ =	task [dreg:s11], $0x5FFFF  }
0xb4: {  	[dreg:$0x1] =	wrdreg $0xFFFFFFFF  }
0xb5: {  	[dreg:$0x0] =	wrdreg $0x60  }
0xb6: {  	[dreg:$0x2] =	wrdreg s15  }
0xb7: {  	[dreg:$0x3] =	wrdreg s4  }
0xb8: {  	[dreg:$0x4] =	wrdreg s5  }
0xb9: {  	[dreg:$0x5] =	wrdreg s24  }
0xba: {  	[dreg:$0x6] =	wrdreg s16  }
0xbb: {  	[dreg:$0x7] =	wrdreg s17  }
0xbc: {  	[dreg:$0x8] =	wrdreg $0x9  }
0xbd: {  	_ =	task.clear_ibuf [dreg:s11], $0x9FFFF;
	_ =	strace $0x90000046  }
0xbe: {  	s29 =	simm.s32 $0x9;
	_ =	strace $0x80000048  }
0xbf: {  	_ =	swait.ge [sflag:s29], $0x1  }
0xc0: {  	[sflag:s29] =	ssyncadd.s32 $0xFFFFFFFF  }
0xc1: {  	_ =	strace $0x90000048  }
0xc2: {  	_ =	sfence  }
0xc3: {  	s30 =	sld [smem:$0x0];
	_ =	sdelay $0x2  }
0xc4: {  	s31 =	sshll.u32 s1, $0xD;
	s1 =	sshrl.u32 s1, $0x2  }
0xc5: {  	s3 =	sand.u32 $0x4000, s31;
	s1 =	sadd.s32 s1, s30  }
0xc6: {  	s0 =	sor.u32 s3, s0;
	s1 =	sshll.u32 s1, $0x11  }
0xc7: {  	s0 =	sor.u32 s1, s0  }
0xc8: {  	s0 =	sadd.s32 $0x8F2B, s0  }
0xc9: {  	[sflag:s0] =	ssyncadd.remote.s32 $0x1  }
0xca: {  	_ =	sfence.sel $0xFFFF  }
0xcb: {  	[dreg:$0x0] =	wrdreg $0xFFFFFFFF;
	(pc) =	sbr.abs _section_cstart, $3  }
0xcc: {  	[dreg:$0x1] =	wrdreg $0xFFFFFFFF  }
0xcd: {  	_ =	task.clear_ibuf [dreg:s11], $0x2FFFF;
	_ =	strace $0x9FFFFFFF  }
0xce: {  	(tm) =	ssettm $0x7FFFFFFF  }
0xcf: {  	_ =	shalt  }
tec
execute0_lowered:
.L_overlay_start_1:
0x0: {  	(tag) =	ssettag $0x1  }
0x1: {  	s0 =	rddreg [dreg:$0x0]  }
0x2: {  	s1 =	rddreg [dreg:$0x1]  }
0x3: {  	s6 =	rddreg [dreg:$0x2]  }
0x4: {  	s4 =	rddreg [dreg:$0x3]  }
0x5: {  	s9 =	rddreg [dreg:$0x4]  }
0x6: {  	s8 =	rddreg [dreg:$0x5];
	s2 =	simm.s32 $0x0  }
0x7: {  	s3 =	srdreg.scid;
	s7 =	stileid.u32;
	s14 =	simm.s32 $0x80  }
0x8: {  	s15 =	simm.s32 $0x200;
	s21 =	simm.s32 $0xA600;
	s18 =	simm.s32 $0x10C00  }
0x9: {  	s20 =	simm.s32 $0x11C00;
	s23 =	simm.s32 $0x12C00;
	s28 =	simm.s32 $0x14C00  }
0xa: {  	s30 =	simm.s32 $0x15C00;
	s16 =	simm.s32 $0x2;
	s17 =	simm.s32 $0x17400  }
0xb: {  	s19 =	simm.s32 $0x3;
	[smem:$0x7FF] =	sst s2;
	s5 =	sand.u32 $0x1, s3  }
0xc: {  	s7 =	sshll.u32 s7, $0x1;
	s3 =	sadd.s32 $0x187400, s4;
	s4 =	sadd.s32 $0xF42E00, s4  }
0xd: {  	_ =	strace $0x80000047;
	s10 =	ssub.s32 $0x2, s5;
	s11 =	sor.u32 s5, s7  }
0xe: {  	s25 =	sshrl.u32 s10, $0x1;
	s12 =	sshll.u32 s11, $0x6;
	s7 =	smul.u32 $0xC80, s11  }
0xf: {  	v0 =	vlaneseq.u32;
	s31 =	sshll.u32 s11, $0x1;
	s11 =	simm.s32 $0x4;
	s10 =	ssub.s32 s10, s25  }
.Ltmp0:
0x10: {  	v1 =	vmul.u32 $0x41, v0;
	v2 =	vmul.u32 $0x20, v0;
	s0 =	sadd.s32 s0, s12;
	s26 =	sadd.s32 s6, s12;
	(pc) =	sbr.rel .LBB2_1-.Ltmp0, $4  }
0x11: {  	s8 =	sadd.s32 s8, s31;
	s9 =	sadd.s32 s9, s12;
	[dreg:$0x7] =	wrdreg s0  }
0x12: {  	[tilespmem:$0x1FFD0] =	vst v2;
	v2 =	vadd.s32 $0x30, v1;
	s25 =	simm.s32 $0x13C00;
	s12 =	simm.s32 $0x1;
	[dreg:$0x8] =	wrdreg s26  }
0x13: {  	[tilespmem:$0x1FFE0] =	vst v2;
	v2 =	vadd.s32 $0x31, v1;
	s29 =	sadd.s32 s1, s7;
	s10 =	smax.u32 s10, $0x1;
	s1 =	simm.s32 $0x20  }
0x14: {  	vm0 =	vmmov $0x3;
	s0 =	simm.s32 $0x16C00;
	[tilespmem:$0x1FFF0] =	vst v2;
	s26 =	simm.s32 $0x0;
	[dreg:$0x9] =	wrdreg s29  }
.LBB2_20:
0x15: {  	v2 =	vadd.f32 v22, v6;
	_ =	sdelay $0x1  }
0x16: {  	s5 =	simm.s32 $0x17A10;
	[tilespmem:$0x17A10] =	vst v2  }
0x17: {  	[hbm4b:s8+s2] =	stream.linear.scatter [tilespmem:s5], [sflag:$0x4], $0x10, $0x38;
	[tilespmem:$0x17A20] =	vst v63  }
0x18: {  	s26 =	sadd.s32 $0x1, s26;
	_ =	swait.ge [sflag:s11], $0x10  }
0x19: {  	p0 =	sne.s32 s26, s10;
	[sflag:s11] =	ssyncset.done $0x0  }
.Ltmp1:
0x1a: {  	s31 =	simm.s32 $0x17810;
	[sflag:s11] =	ssyncadd.s32 $0xFFFFFFF0;
	(pc) =	sbr.rel @!p0 .LBB2_21-.Ltmp1, $4  }
0x1b: {  	[hbm4b:s9+s2] =	stream.linear.scatter [tilespmem:s31], [sflag:$0x4], $0x200, $0x38;
	[tilespmem:$0x17A20] =	vst v63  }
0x1c: {  	_ =	swait.ge [sflag:s11], $0x200  }
0x1d: {  	[sflag:s11] =	ssyncset.done $0x0  }
0x1e: {  	[sflag:s11] =	ssyncadd.s32 $0xFFFFFE00  }
.LBB2_1:
0x1f: {  	s5 =	rddreg [dreg:$0x7]  }
0x20: {  	[tilespmem:s2], [sflag:$0x4] =	stream.linear.gather [hbm4b:s5+s2], $0x200, $0x38;
	[tilespmem:$0x17A20] =	vst v63  }
0x21: {  	_ =	swait.ge [sflag:s11], $0x200  }
0x22: {  	[sflag:s11] =	ssyncset.done $0x0  }
0x23: {  	s6 =	simm.s32 $0x17200;
	s13 =	rddreg [dreg:$0x8];
	[sflag:s11] =	ssyncadd.s32 $0xFFFFFE00  }
0x24: {  	[tilespmem:s6], [sflag:$0x4] =	stream.linear.gather [hbm4b:s13+s2], $0x200, $0x38;
	[tilespmem:$0x17A20] =	vst v63  }
0x25: {  	_ =	swait.ge [sflag:s11], $0x200  }
0x26: {  	[sflag:s11] =	ssyncset.done $0x0  }
0x27: {  	s6 =	simm.s32 $0x4200;
	s22 =	rddreg [dreg:$0x9];
	[sflag:s11] =	ssyncadd.s32 $0xFFFFFE00  }
0x28: {  	[tilespmem:s6], [sflag:$0x4] =	stream.linear.gather [hbm4b:s22+s2], $0x6400, $0x38;
	[tilespmem:$0x17A20] =	vst v63  }
0x29: {  	_ =	swait.ge [sflag:s11], $0x6400  }
0x2a: {  	[sflag:s11] =	ssyncset.done $0x0  }
0x2b: {  	[sflag:s11] =	ssyncadd.s32 $0xFFFF9C00  }
0x2c: {  	[tilespmem:s15], [sflag:$0x1] =	stream.indirect.gather [hbm4b:s3+s14], $0x20, s2, s14, $0xb8;
	[tilespmem:$0x17A20] =	vst v63  }
0x2d: {  	s24 =	simm.s32 $0x1200  }
0x2e: {  	[tilespmem:s24], [sflag:$0x1] =	stream.indirect.gather [hbm4b:s3+s14], $0x20, s14, s14, $0xb8;
	[tilespmem:$0x17A20] =	vst v63  }
0x2f: {  	s31 =	simm.s32 $0x100;
	s7 =	simm.s32 $0x2200  }
0x30: {  	[tilespmem:s7], [sflag:$0x1] =	stream.indirect.gather [hbm4b:s3+s14], $0x20, s31, s14, $0xb8;
	[tilespmem:$0x17A20] =	vst v63  }
0x31: {  	s13 =	simm.s32 $0x180;
	s22 =	simm.s32 $0x3200  }
0x32: {  	[tilespmem:s22], [sflag:$0x1] =	stream.indirect.gather [hbm4b:s3+s14], $0x20, s13, s14, $0xb8;
	[tilespmem:$0x17A20] =	vst v63  }
0x33: {  	_ = 	snop  }
0x34: {  	[tilespmem:s21], [sflag:$0x2] =	stream.indirect.gather [hbm4b:s4+s14], $0x20, s6, s14, $0xb8;
	[tilespmem:$0x17A20] =	vst v63  }
0x35: {  	s24 =	simm.s32 $0x4280;
	s31 =	simm.s32 $0xB600  }
0x36: {  	[tilespmem:s31], [sflag:$0x2] =	stream.indirect.gather [hbm4b:s4+s14], $0x20, s24, s14, $0xb8;
	[tilespmem:$0x17A20] =	vst v63  }
0x37: {  	s7 =	simm.s32 $0xC600;
	s6 =	simm.s32 $0x4300  }
0x38: {  	[tilespmem:s7], [sflag:$0x2] =	stream.indirect.gather [hbm4b:s4+s14], $0x20, s6, s14, $0xb8;
	[tilespmem:$0x17A20] =	vst v63  }
0x39: {  	s13 =	simm.s32 $0x4380;
	s22 =	simm.s32 $0xD600  }
0x3a: {  	[tilespmem:s22], [sflag:$0x2] =	stream.indirect.gather [hbm4b:s4+s14], $0x20, s13, s14, $0xb8;
	[tilespmem:$0x17A20] =	vst v63  }
0x3b: {  	s24 =	simm.s32 $0x4400;
	s31 =	simm.s32 $0xE600  }
0x3c: {  	[tilespmem:s31], [sflag:$0x2] =	stream.indirect.gather [hbm4b:s4+s14], $0x20, s24, s14, $0xb8;
	[tilespmem:$0x17A20] =	vst v63  }
0x3d: {  	s7 =	simm.s32 $0x4480;
	s13 =	simm.s32 $0xF600  }
0x3e: {  	[tilespmem:s13], [sflag:$0x2] =	stream.indirect.gather [hbm4b:s4+s14], $0x20, s7, s14, $0xb8;
	[tilespmem:$0x17A20] =	vst v63  }
0x3f: {  	s22 =	simm.s32 $0x4500;
	s24 =	simm.s32 $0x10600  }
0x40: {  	[tilespmem:s24], [sflag:$0x2] =	stream.indirect.gather [hbm4b:s4+s1], $0x20, s22, s1, $0xb8;
	[tilespmem:$0x17A20] =	vst v63  }
0x41: {  	s31 =	simm.s32 $0x4520  }
0x42: {  	[tilespmem:s18], [sflag:$0x3] =	stream.indirect.gather [hbm4b:s4+s14], $0x20, s31, s14, $0xb8;
	[tilespmem:$0x17A20] =	vst v63  }
0x43: {  	s6 =	simm.s32 $0x45A0  }
0x44: {  	[tilespmem:s20], [sflag:$0x3] =	stream.indirect.gather [hbm4b:s4+s14], $0x20, s6, s14, $0xb8;
	[tilespmem:$0x17A20] =	vst v63  }
0x45: {  	s7 =	simm.s32 $0x4620  }
0x46: {  	[tilespmem:s23], [sflag:$0x3] =	stream.indirect.gather [hbm4b:s4+s14], $0x20, s7, s14, $0xb8;
	[tilespmem:$0x17A20] =	vst v63  }
0x47: {  	s13 =	simm.s32 $0x46A0  }
0x48: {  	[tilespmem:s25], [sflag:$0x3] =	stream.indirect.gather [hbm4b:s4+s14], $0x20, s13, s14, $0xb8;
	[tilespmem:$0x17A20] =	vst v63  }
0x49: {  	s22 =	simm.s32 $0x4720  }
0x4a: {  	[tilespmem:s28], [sflag:$0x3] =	stream.indirect.gather [hbm4b:s4+s14], $0x20, s22, s14, $0xb8;
	[tilespmem:$0x17A20] =	vst v63  }
0x4b: {  	s24 =	simm.s32 $0x47A0  }
0x4c: {  	[tilespmem:s30], [sflag:$0x3] =	stream.indirect.gather [hbm4b:s4+s14], $0x20, s24, s14, $0xb8;
	[tilespmem:$0x17A20] =	vst v63  }
0x4d: {  	s31 =	simm.s32 $0x4820  }
0x4e: {  	[tilespmem:s0], [sflag:$0x3] =	stream.indirect.gather [hbm4b:s4+s1], $0x20, s31, s1, $0xb8;
	[tilespmem:$0x17A20] =	vst v63  }
0x4f: {  	_ =	swait.ge [sflag:s12], $0x4000  }
0x50: {  	[sflag:s12] =	ssyncset.done $0x0  }
0x51: {  	v22 =	vimm.f32 $0.0e+00;
	v6 =	vimm.f32 $0.0e+00;
	s29 =	simm.s32 $0x0;
	[sflag:s12] =	ssyncadd.s32 $0xFFFFC000  }
.LBB2_2:
0x52: {  	_ =	swait.ge [sflag:s16], $0x6400  }
0x53: {  	s31 =	sshll.u32 s29, $0x5;
	[sflag:s16] =	ssyncset.done $0x0  }
0x54: {  	s22 =	simm.s32 $0x0;
	s24 =	simm.s32 $0x0;
	[sflag:s16] =	ssyncadd.s32 $0xFFFF9C00  }
.LBB2_3:
0x55: {  	s5 =	smul.u32 $0x32, s24;
	v2 =	vld [tilespmem:$0x1FFD0]  }
0x56: {  	s7 =	simm.s32 $0x1  }
0x57: {  	s6 =	sadd.s32 s31, s24;
	v8 =	vadd.s32 s7, v0;
	s13 =	sadd.s32 $0x30, s5  }
0x58: {  	s7 =	sadd.s32 $0x20, s5;
	v10 =	vand.u32 $0x1F, v8;
	v7 =	vmov s13;
	s13 =	sshll.u32 s6, $0x5  }
0x59: {  	v9 =	vmov s7;
	s7 =	simm.s32 $0x2;
	v7 =	vshll.u32 v7, $0x5;
	v8 =	vmov s13  }
0x5a: {  	v12 =	vadd.s32 s7, v0;
	v7 =	vadd.s32 v2, v7;
	v13 =	vor.u32 v8, v10  }
0x5b: {  	v9 =	vshll.u32 v9, $0x5;
	v14 =	vand.u32 $0x1F, v12;
	v11 =	vor.u32 v7, v10  }
0x5c: {  	v15 =	vmov s5;
	s5 =	sadd.s32 $0x10, s5;
	v9 =	vadd.s32 v2, v9;
	v12 =	vor.u32 v7, v14  }
0x5d: {  	v17 =	vmov s5;
	s7 =	simm.s32 $0x3;
	v16 =	vor.u32 v9, v14  }
0x5e: {  	v15 =	vshll.u32 v15, $0x5;
	v18 =	vadd.s32 s7, v0;
	v19 =	vor.u32 v9, v10  }
0x5f: {  	v17 =	vshll.u32 v17, $0x5;
	v21 =	vor.u32 v8, v14;
	v32 =	vand.u32 $0x1F, v18;
	v18 =	vld.idx.msk [tilespmem:v13+s15+$0x0], $0xffff  }
0x60: {  	v13 =	vadd.s32 v2, v15;
	v20 =	vld.idx.msk [tilespmem:v11+s21+$0x0], $0xffff;
	v11 =	vadd.s32 v2, v17;
	v17 =	vor.u32 v8, v32  }
0x61: {  	v25 =	vld.idx.msk [tilespmem:v12+s21+$0x0], $0xffff;
	v23 =	vor.u32 v13, v10  }
0x62: {  	[tilespmem:$0x1FFC0] =	vst v22;
	v12 =	vadd.s32 s22, v0;
	v16 =	vld.idx.msk [tilespmem:v16+s21+$0x0], $0xffff;
	v22 =	vor.u32 v11, v14  }
0x63: {  	v28 =	vld.idx.msk [tilespmem:v19+s21+$0x0], $0xffff;
	v27 =	vand.u32 $0x1F, v12;
	v12 =	vor.u32 v9, v32  }
0x64: {  	v26 =	vld.idx.msk [tilespmem:v21+s15+$0x0], $0xffff;
	v35 =	vor.u32 v11, v10  }
0x65: {  	v19 =	vor.u32 v7, v27;
	v15 =	vld.idx.msk [tilespmem:v17+s15+$0x0], $0xffff  }
0x66: {  	v29 =	vor.u32 v11, v27;
	v34 =	vld.idx.msk [tilespmem:v23+s21+$0x0], $0xffff  }
0x67: {  	v31 =	vimm.f32 $0.0e+00;
	v51 =	vimm.f32 $0.0e+00;
	v33 =	vor.u32 v13, v32;
	v22 =	vld.idx.msk [tilespmem:v22+s21+$0x0], $0xffff  }
0x68: {  	v39 =	vor.u32 v13, v27;
	v17 =	vor.u32 v7, v32;
	v24 =	vmul.f32 v16, v16;
	v36 =	vld.idx.msk [tilespmem:v12+s21+$0x0], $0xffff  }
0x69: {  	v37 =	vnsel vm0, $0x0, v20;
	v20 =	vmul.f32 v28, v18;
	v28 =	vmul.f32 v28, v28;
	v35 =	vld.idx.msk [tilespmem:v35+s21+$0x0], $0xffff  }
0x6a: {  	v61 =	vnsel vm0, $0x0, v25;
	v21 =	vmul.f32 v37, v18;
	v12 =	vmul.f32 v16, v26;
	v38 =	vld.idx.msk [tilespmem:v19+s21+$0x0], $0xffff  }
0x6b: {  	v41 =	vor.u32 v8, v27;
	v46 =	vmul.f32 v37, v37;
	v43 =	vmul.f32 v61, v61;
	v30 =	vld.idx.msk [tilespmem:v29+s21+$0x0], $0xffff  }
0x6c: {  	v42 =	vor.u32 v13, v14;
	v19 =	vld.idx.msk [tilespmem:v33+s21+$0x0], $0xffff;
	v44 =	vmul.f32 v34, v18;
	v29 =	vmul.f32 v34, v34  }
0x6d: {  	v60 =	vor.u32 v9, v27;
	v40 =	vld.idx.msk [tilespmem:v17+s21+$0x0], $0xffff;
	v34 =	vmul.f32 v61, v26;
	v23 =	vmul.f32 v22, v26  }
0x6e: {  	s13 =	sand.u32 $0x3FFFFFE0, s13;
	v47 =	vld.idx.msk [tilespmem:v39+s21+$0x0], $0xffff;
	v39 =	vimm.f32 $0.0e+00;
	v22 =	vmul.f32 v22, v22;
	v10 =	vmul.f32 v36, v15  }
0x6f: {  	v14 =	vld [tilespmem:s13+$0x200];
	v33 =	vimm.f32 $0.0e+00;
	v17 =	vmul.f32 v36, v36;
	v49 =	vmul.f32 v35, v35  }
0x70: {  	v37 =	vld.idx.msk [tilespmem:v41+s15+$0x0], $0xffff;
	v36 =	vimm.f32 $0.0e+00;
	v63 =	vmul.f32 v30, v30;
	v50 =	vnsel vm0, $0x0, v38  }
0x71: {  	v42 =	vld.idx.msk [tilespmem:v42+s21+$0x0], $0xffff;
	v25 =	vmul.f32 v19, v19;
	v38 =	vor.u32 v11, v32;
	v32 =	vimm.f32 $0.0e+00  }
0x72: {  	v16 =	vld [tilespmem:s13+$0x210];
	v52 =	vmul.f32 v50, v50;
	v48 =	vadd.f32 v63, v31;
	v62 =	vnsel vm0, $0x0, v40  }
0x73: {  	s13 =	simm.s32 $0x4;
	v45 =	vld.idx.msk [tilespmem:v60+s21+$0x0], $0xffff;
	v40 =	vimm.f32 $0.0e+00;
	v27 =	vmul.f32 v62, v15;
	v41 =	vmul.f32 v62, v62  }
.LBB2_4:
0x74: {  	s5 =	sadd.s32 $0x1, s13  }
0x75: {  	p0 =	slt.u32 s13, $0x1C;
	v53 =	vmul.f32 v47, v37;
	v47 =	vmul.f32 v47, v47;
	v31 =	vadd.f32 v52, v31;
	s6 =	smov.u32 s13;
	s13 =	sadd.s32 $0x4, s13  }
0x76: {  	v50 =	vmul.f32 v50, v37;
	v54 =	vmul.f32 v42, v26;
	v52 =	vadd.s32 s5, v0  }
0x77: {  	v52 =	vand.u32 $0x1F, v52;
	v26 =	vadd.f32 v53, v51;
	v31 =	vadd.f32 v46, v31;
	v38 =	vld.idx.msk [tilespmem:v38+s21+$0x0], $0xffff  }
0x78: {  	v35 =	vmul.f32 v35, v18;
	s5 =	sadd.s32 $0x2, s6;
	v46 =	vor.u32 v8, v52;
	v51 =	vor.u32 v7, v52  }
0x79: {  	v42 =	vmul.f32 v42, v42;
	v18 =	vadd.s32 s5, v0;
	v53 =	vadd.f32 v44, v26  }
0x7a: {  	v55 =	vmul.f32 v45, v37;
	v48 =	vadd.f32 v49, v48;
	v44 =	vand.u32 $0x1F, v18  }
0x7b: {  	v40 =	vadd.f32 v50, v40;
	v26 =	vor.u32 v9, v44;
	v49 =	vor.u32 v7, v44  }
0x7c: {  	v45 =	vmul.f32 v45, v45;
	s5 =	sadd.s32 $0x3, s6;
	v50 =	vor.u32 v9, v52;
	v31 =	vadd.f32 v43, v31  }
0x7d: {  	v30 =	vmul.f32 v30, v37;
	v18 =	vadd.s32 s5, v0;
	v43 =	vld.idx.msk [tilespmem:v51+s21+$0x0], $0xffff;
	v51 =	vor.u32 v8, v44  }
0x7e: {  	v37 =	vor.u32 v11, v44;
	v56 =	vand.u32 $0x1F, v18;
	v57 =	vmul.f32 v38, v15  }
0x7f: {  	v58 =	vadd.s32 s6, v0;
	v59 =	vmul.f32 v38, v38;
	v18 =	vld.idx.msk [tilespmem:v46+s15+$0x0], $0xffff;
	v46 =	vor.u32 v8, v56  }
0x80: {  	v31 =	vadd.f32 v41, v31;
	v38 =	vand.u32 $0x1F, v58;
	v58 =	vor.u32 v13, v52;
	v49 =	vld.idx.msk [tilespmem:v49+s21+$0x0], $0xffff  }
0x81: {  	v30 =	vadd.f32 v30, v39;
	v41 =	vor.u32 v13, v38;
	v60 =	vor.u32 v7, v38;
	v61 =	vld.idx.msk [tilespmem:v26+s21+$0x0], $0xffff  }
0x82: {  	v63 =	vor.u32 v9, v56;
	v39 =	vor.u32 v8, v38;
	v62 =	vor.u32 v11, v38;
	v50 =	vld.idx.msk [tilespmem:v50+s21+$0x0], $0xffff  }
0x83: {  	v40 =	vadd.f32 v21, v40;
	v43 =	vnsel vm0, $0x0, v43;
	v26 =	vld.idx.msk [tilespmem:v51+s15+$0x0], $0xffff;
	v51 =	vor.u32 v7, v56  }
0x84: {  	v32 =	vadd.f32 v45, v32;
	v4 =	vor.u32 v13, v56;
	v3 =	vor.u32 v9, v38;
	v46 =	vld.idx.msk [tilespmem:v46+s15+$0x0], $0xffff  }
0x85: {  	v36 =	vadd.f32 v55, v36;
	v33 =	vadd.f32 v47, v33;
	v45 =	vor.u32 v11, v52;
	v52 =	vld.idx.msk [tilespmem:v37+s21+$0x0], $0xffff  }
0x86: {  	v30 =	vadd.f32 v35, v30;
	v34 =	vadd.f32 v34, v40;
	v21 =	vmul.f32 v43, v18;
	v55 =	vld.idx.msk [tilespmem:v58+s21+$0x0], $0xffff  }
0x87: {  	v35 =	vadd.f32 v20, v36;
	v58 =	vor.u32 v13, v44;
	v2 =	vmul.f32 v61, v61;
	v44 =	vld.idx.msk [tilespmem:v63+s21+$0x0], $0xffff  }
0x88: {  	v5 =	vmul.f32 v19, v15;
	v28 =	vadd.f32 v28, v32;
	v63 =	vadd.f32 v23, v30;
	v60 =	vld.idx.msk [tilespmem:v60+s21+$0x0], $0xffff  }
0x89: {  	v19 =	vadd.f32 v22, v48;
	v15 =	vadd.f32 v29, v33;
	v38 =	vor.u32 v11, v56;
	v30 =	vld.idx.msk [tilespmem:v62+s21+$0x0], $0xffff  }
0x8a: {  	v48 =	vadd.f32 v12, v35;
	v22 =	vadd.f32 v24, v28;
	v20 =	vmul.f32 v50, v18;
	v36 =	vld.idx.msk [tilespmem:v51+s21+$0x0], $0xffff  }
0x8b: {  	v24 =	vadd.f32 v42, v15;
	v56 =	vadd.f32 v59, v19;
	v12 =	vmul.f32 v61, v26;
	v35 =	vld.idx.msk [tilespmem:v45+s21+$0x0], $0xffff  }
0x8c: {  	v40 =	vadd.f32 v27, v34;
	v32 =	vadd.f32 v17, v22;
	v23 =	vmul.f32 v52, v26;
	v19 =	vld.idx.msk [tilespmem:v4+s21+$0x0], $0xffff  }
0x8d: {  	v33 =	vadd.f32 v25, v24;
	v22 =	vmul.f32 v52, v52;
	v4 =	vmul.f32 v44, v46;
	v37 =	vld.idx.msk [tilespmem:v39+s15+$0x0], $0xffff  }
0x8e: {  	v34 =	vnsel vm0, $0x0, v49;
	v28 =	vmul.f32 v50, v50;
	v15 =	vmovc v46;
	v17 =	vmul.f32 v44, v44;
	v47 =	vld.idx.msk [tilespmem:v41+s21+$0x0], $0xffff  }
0x8f: {  	v49 =	vadd.f32 v54, v53;
	v44 =	vmul.f32 v55, v18;
	v46 =	vmul.f32 v43, v43;
	v42 =	vld.idx.msk [tilespmem:v58+s21+$0x0], $0xffff  }
.Ltmp2:
0x90: {  	v24 =	vmovc v2;
	v29 =	vmul.f32 v55, v55;
	v43 =	vmul.f32 v34, v34;
	v45 =	vld.idx.msk [tilespmem:v3+s21+$0x0], $0xffff;
	v3 =	vnsel vm0, $0x0, v36;
	(pc) =	sbr.rel @p0 .LBB2_4-.Ltmp2, $4  }
0x91: {  	v2 =	vmul.f32 v30, v30;
	v36 =	vadd.f32 v10, v48;
	v10 =	vmovc v4;
	v27 =	vmul.f32 v3, v15  }
0x92: {  	v50 =	vnsel vm0, $0x0, v60;
	v39 =	vadd.f32 v57, v63;
	v25 =	vmul.f32 v19, v19  }
0x93: {  	v51 =	vadd.f32 v5, v49;
	v52 =	vmul.f32 v50, v50;
	v41 =	vmul.f32 v3, v3  }
0x94: {  	v34 =	vmul.f32 v34, v26;
	v48 =	vadd.f32 v2, v56;
	v49 =	vmul.f32 v35, v35  }
0x95: {  	v2 =	vmul.f32 v47, v37;
	v4 =	vmul.f32 v50, v37  }
0x96: {  	v3 =	vadd.f32 v52, v31;
	v5 =	vmul.f32 v47, v47;
	v8 =	vmul.f32 v30, v37  }
0x97: {  	v11 =	vmul.f32 v45, v45;
	v9 =	vadd.f32 v49, v48;
	v2 =	vadd.f32 v2, v51  }
0x98: {  	v7 =	vmul.f32 v45, v37;
	v3 =	vadd.f32 v46, v3;
	v4 =	vadd.f32 v4, v40  }
0x99: {  	v61 =	vmul.f32 v14, v14;
	v8 =	vadd.f32 v8, v39;
	v11 =	vadd.f32 v11, v32  }
0x9a: {  	v7 =	vadd.f32 v7, v36;
	v5 =	vadd.f32 v5, v33  }
0x9b: {  	v18 =	vmul.f32 v35, v18;
	v6 =	vadd.f32 v61, v6;
	v9 =	vadd.f32 v22, v9  }
0x9c: {  	v13 =	vld.idx.msk [tilespmem:v38+s21+$0x0], $0xffff;
	v2 =	vadd.f32 v44, v2;
	v3 =	vadd.f32 v43, v3  }
0x9d: {  	v4 =	vadd.f32 v21, v4;
	v8 =	vadd.f32 v18, v8  }
0x9e: {  	v7 =	vadd.f32 v20, v7;
	v11 =	vadd.f32 v28, v11  }
0x9f: {  	v59 =	vmul.f32 v42, v42;
	v5 =	vadd.f32 v29, v5;
	v3 =	vadd.f32 v41, v3  }
0xa0: {  	v21 =	vmul.f32 v42, v26;
	v4 =	vadd.f32 v34, v4;
	v8 =	vadd.f32 v23, v8  }
0xa1: {  	v63 =	vld [tilespmem:$0x1FFC0];
	v20 =	vmul.f32 v13, v13;
	v7 =	vadd.f32 v12, v7;
	v11 =	vadd.f32 v24, v11  }
0xa2: {  	v60 =	vmul.f32 v19, v15;
	v5 =	vadd.f32 v59, v5;
	v2 =	vadd.f32 v21, v2  }
0xa3: {  	s5 =	smul.u32 $0x41, s24;
	s24 =	sadd.s32 $0x1, s24;
	v13 =	vmul.f32 v13, v15;
	v9 =	vadd.f32 v20, v9;
	v4 =	vadd.f32 v27, v4  }
0xa4: {  	v62 =	vmul.f32 v16, v16;
	p0 =	sne.s32 s24, $0x10;
	v11 =	vadd.f32 v17, v11;
	v2 =	vadd.f32 v60, v2  }
.Ltmp3:
0xa5: {  	v5 =	vadd.f32 v25, v5;
	v8 =	vadd.f32 v13, v8;
	(pc) =	sbr.rel @p0 .LBB2_3-.Ltmp3, $4  }
0xa6: {  	v7 =	vadd.f32 v10, v7;
	v10 =	vadd.f32 v62, v63;
	[tilespmem:s5+$0x17400] =	vst v2;
	s5 =	sand.u32 $0x3FF, s5  }
0xa7: {  	v2 =	vadd.f32 v9, v5;
	v3 =	vadd.f32 v3, v11;
	[tilespmem:s5+$0x17410] =	vst v8  }
0xa8: {  	[tilespmem:s5+$0x17420] =	vst v7  }
0xa9: {  	[tilespmem:s5+$0x17430] =	vst v4;
	v6 =	vadd.f32 v2, v6;
	v22 =	vadd.f32 v3, v10  }
0xaa: {  	s5 =	simm.s32 $0x0  }
0xab: {  	v2 =	vadd.s32 s5, v1  }
0xac: {  	s24 =	simm.s32 $0x1  }
0xad: {  	s6 =	simm.s32 $0x2;
	v3 =	vadd.s32 s24, v1  }
0xae: {  	s7 =	simm.s32 $0x3;
	v4 =	vadd.s32 s6, v1  }
0xaf: {  	s6 =	simm.s32 $0x4;
	v5 =	vadd.s32 s7, v1  }
0xb0: {  	v10 =	vadd.s32 s6, v1;
	v2 =	vld.idx.msk [tilespmem:v2+s17+$0x0], $0xffff  }
0xb1: {  	s13 =	simm.s32 $0x5  }
0xb2: {  	s22 =	simm.s32 $0x6;
	v13 =	vadd.s32 s13, v1;
	v7 =	vld.idx.msk [tilespmem:v3+s17+$0x0], $0xffff  }
0xb3: {  	s24 =	simm.s32 $0x7;
	v11 =	vadd.s32 s22, v1;
	v8 =	vld.idx.msk [tilespmem:v4+s17+$0x0], $0xffff  }
0xb4: {  	v12 =	vadd.s32 s24, v1;
	v3 =	vimm.f32 $-3.000000010e+38;
	v9 =	vld.idx.msk [tilespmem:v5+s17+$0x0], $0xffff  }
0xb5: {  	s13 =	simm.s32 $0x8;
	v10 =	vld.idx.msk [tilespmem:v10+s17+$0x0], $0xffff;
	v14 =	vmax.f32 v3, v2  }
.LBB2_7:
0xb6: {  	s5 =	sadd.s32 $0x1, s13  }
0xb7: {  	v2 =	vadd.s32 s13, v1;
	p0 =	slt.u32 s13, $0x2C;
	v3 =	vmax.f32 v14, v7;
	v7 =	vld.idx.msk [tilespmem:v13+s17+$0x0], $0xffff;
	s6 =	smov.u32 s13;
	s13 =	sadd.s32 $0x4, s13  }
.Ltmp4:
0xb8: {  	v13 =	vadd.s32 s5, v1;
	s5 =	sadd.s32 $0x2, s6;
	v3 =	vmax.f32 v3, v8;
	v8 =	vld.idx.msk [tilespmem:v11+s17+$0x0], $0xffff;
	(pc) =	sbr.rel @p0 .LBB2_7-.Ltmp4, $3  }
0xb9: {  	v11 =	vadd.s32 s5, v1;
	s5 =	sadd.s32 $0x3, s6;
	v3 =	vmax.f32 v3, v9;
	v9 =	vld.idx.msk [tilespmem:v12+s17+$0x0], $0xffff  }
0xba: {  	v12 =	vadd.s32 s5, v1;
	_ =	sdelay $0x1  }
0xbb: {  	v14 =	vmax.f32 v3, v10;
	v10 =	vld.idx.msk [tilespmem:v2+s17+$0x0], $0xffff  }
0xbc: {  	v4 =	vmax.f32 v14, v7  }
0xbd: {  	v4 =	vmax.f32 v4, v8;
	v8 =	vld [tilespmem:$0x1FFE0];
	_ =	sdelay $0x7  }
0xbe: {  	v4 =	vmax.f32 v4, v9;
	v9 =	vld.idx.msk [tilespmem:v8+s17+$0x0], $0xffff  }
0xbf: {  	v8 =	vld [tilespmem:$0x1FFF0];
	_ =	sdelay $0x2  }
0xc0: {  	s5 =	simm.s32 $0x0;
	v2 =	vld.idx.msk [tilespmem:v13+s17+$0x0], $0xffff  }
0xc1: {  	v3 =	vadd.s32 s5, v1  }
0xc2: {  	v5 =	vld.idx.msk [tilespmem:v11+s17+$0x0], $0xffff  }
0xc3: {  	v7 =	vld.idx.msk [tilespmem:v12+s17+$0x0], $0xffff  }
0xc4: {  	s22 =	simm.s32 $0x1;
	v4 =	vmax.f32 v4, v10  }
0xc5: {  	v2 =	vmax.f32 v4, v2;
	v4 =	vadd.s32 s22, v1;
	v8 =	vld.idx.msk [tilespmem:v8+s17+$0x0], $0xffff  }
0xc6: {  	s24 =	simm.s32 $0x2;
	v3 =	vld.idx.msk [tilespmem:v3+s17+$0x0], $0xffff  }
0xc7: {  	v2 =	vmax.f32 v2, v5;
	v5 =	vadd.s32 s24, v1  }
0xc8: {  	s6 =	simm.s32 $0x3;
	v2 =	vmax.f32 v2, v7  }
0xc9: {  	v10 =	vadd.s32 s6, v1;
	v2 =	vmax.f32 v2, v9  }
0xca: {  	s7 =	simm.s32 $0x4;
	v4 =	vld.idx.msk [tilespmem:v4+s17+$0x0], $0xffff;
	v7 =	vmax.f32 v2, v8  }
0xcb: {  	v2 =	vadd.s32 s7, v1;
	v3 =	vsub.f32 v3, v7  }
0xcc: {  	s13 =	simm.s32 $0x5;
	v5 =	vld.idx.msk [tilespmem:v5+s17+$0x0], $0xffff  }
0xcd: {  	v11 =	vadd.s32 s13, v1;
	s22 =	simm.s32 $0x6;
	v3 =	vmul.f32 $1.442695020e+00, v3  }
0xce: {  	v12 =	vadd.s32 s22, v1;
	v10 =	vld.idx.msk [tilespmem:v10+s17+$0x0], $0xffff  }
0xcf: {  	s24 =	simm.s32 $0x7;
	(erf) = vpow2.f32 v3;
	v3 =	vsub.f32 v4, v7  }
0xd0: {  	v13 =	vadd.s32 s24, v1;
	v2 =	vld.idx.msk [tilespmem:v2+s17+$0x0], $0xffff  }
0xd1: {  	s6 =	simm.s32 $0x8;
	s7 =	simm.s32 $0x9;
	v5 =	vsub.f32 v5, v7;
	v3 =	vmul.f32 $1.442695020e+00, v3  }
0xd2: {  	v17 =	vadd.s32 s7, v1;
	v4 =	vld.idx.msk [tilespmem:v11+s17+$0x0], $0xffff;
	v11 =	vadd.s32 s6, v1  }
0xd3: {  	s13 =	simm.s32 $0xA;
	v18 =	vld.idx.msk [tilespmem:v12+s17+$0x0], $0xffff;
	v10 =	vsub.f32 v10, v7;
	v5 =	vmul.f32 $1.442695020e+00, v5;
	(erf) = vpow2.f32 v3  }
0xd4: {  	v20 =	vadd.s32 s13, v1  }
0xd5: {  	s22 =	simm.s32 $0xB;
	v21 =	vld.idx.msk [tilespmem:v13+s17+$0x0], $0xffff;
	v3 =	vmul.f32 $1.442695020e+00, v10;
	v2 =	vsub.f32 v2, v7;
	(erf) = vpow2.f32 v5  }
0xd6: {  	v14 =	vadd.s32 s22, v1  }
0xd7: {  	v4 =	vsub.f32 v4, v7;
	v15 =	vld.idx.msk [tilespmem:v11+s17+$0x0], $0xffff;
	(erf) = vpow2.f32 v3;
	v2 =	vmul.f32 $1.442695020e+00, v2  }
0xd8: {  	s13 =	simm.s32 $0xC;
	v12 =	vld.idx.msk [tilespmem:v17+s17+$0x0], $0xffff;
	v17 =	vsub.f32 v18, v7  }
0xd9: {  	s24 =	simm.s32 $0xD;
	v11 =	vadd.s32 s13, v1;
	v19 =	vmul.f32 $1.442695020e+00, v4;
	(erf) = vpow2.f32 v2  }
0xda: {  	v16 =	vimm.f32 $0.0e+00;
	s22 =	simm.s32 $0x10;
	v13 =	vld.idx.msk [tilespmem:v20+s17+$0x0], $0xffff;
	v18 =	vsub.f32 v21, v7;
	v10 =	vadd.s32 s24, v1;
	v20 =	vpop (erf)  }
.LBB2_9:
0xdb: {  	p0 =	slt.u32 s22, $0x2C;
	s5 =	sadd.s32 $0x2, s13;
	v2 =	vmul.f32 $1.442695020e+00, v17;
	(erf) = vpow2.f32 v19;
	v3 =	vadd.f32 v20, v16  }
0xdc: {  	v5 =	vsub.f32 v15, v7;
	v4 =	vadd.s32 s5, v1;
	v20 =	vld.idx.msk [tilespmem:v14+s17+$0x0], $0xffff;
	v14 =	vpop (erf)  }
0xdd: {  	s5 =	sadd.s32 $0x3, s13;
	v16 =	vmul.f32 $1.442695020e+00, v18;
	s13 =	smov.u32 s22;
	(erf) = vpow2.f32 v2;
	v2 =	vadd.f32 v14, v3  }
.Ltmp5:
0xde: {  	v14 =	vadd.s32 s5, v1;
	v3 =	vsub.f32 v12, v7;
	v15 =	vld.idx.msk [tilespmem:v11+s17+$0x0], $0xffff;
	v11 =	vpop (erf);
	(pc) =	sbr.rel @p0 .LBB2_9-.Ltmp5, $4  }
0xdf: {  	v5 =	vmul.f32 $1.442695020e+00, v5;
	(erf) = vpow2.f32 v16;
	v2 =	vadd.f32 v11, v2  }
0xe0: {  	v11 =	vadd.s32 s22, v1;
	v17 =	vsub.f32 v13, v7;
	v12 =	vld.idx.msk [tilespmem:v10+s17+$0x0], $0xffff;
	v10 =	vpop (erf)  }
0xe1: {  	s5 =	sadd.s32 $0x1, s22;
	v19 =	vmul.f32 $1.442695020e+00, v3;
	(erf) = vpow2.f32 v5;
	v16 =	vadd.f32 v10, v2  }
0xe2: {  	s22 =	sadd.s32 $0x4, s22;
	v10 =	vadd.s32 s5, v1;
	v18 =	vsub.f32 v20, v7;
	v13 =	vld.idx.msk [tilespmem:v4+s17+$0x0], $0xffff;
	v20 =	vpop (erf)  }
0xe3: {  	_ =	sdelay $0x1  }
0xe4: {  	v2 =	vmul.f32 $1.442695020e+00, v17;
	(erf) = vpow2.f32 v19;
	v3 =	vadd.f32 v20, v16  }
0xe5: {  	v4 =	vsub.f32 v15, v7;
	v5 =	vpop (erf)  }
0xe6: {  	s5 =	sadd.s32 $0x2, s13;
	v14 =	vld.idx.msk [tilespmem:v14+s17+$0x0], $0xffff;
	v55 =	vmul.f32 $1.442695020e+00, v18;
	(erf) = vpow2.f32 v2;
	v2 =	vadd.f32 v5, v3  }
0xe7: {  	v3 =	vadd.s32 s5, v1;
	v5 =	vsub.f32 v12, v7;
	v56 =	vpop (erf)  }
0xe8: {  	s24 =	sadd.s32 $0x3, s13;
	v11 =	vld.idx.msk [tilespmem:v11+s17+$0x0], $0xffff;
	v4 =	vmul.f32 $1.442695020e+00, v4;
	(erf) = vpow2.f32 v55;
	v2 =	vadd.f32 v56, v2  }
0xe9: {  	v57 =	vadd.s32 s24, v1;
	v13 =	vsub.f32 v13, v7;
	v58 =	vpop (erf)  }
0xea: {  	v5 =	vmul.f32 $1.442695020e+00, v5;
	(erf) = vpow2.f32 v4;
	v2 =	vadd.f32 v58, v2  }
0xeb: {  	v10 =	vld.idx.msk [tilespmem:v10+s17+$0x0], $0xffff;
	v4 =	vsub.f32 v14, v7;
	v59 =	vpop (erf)  }
0xec: {  	v13 =	vmul.f32 $1.442695020e+00, v13;
	v3 =	vld.idx.msk [tilespmem:v3+s17+$0x0], $0xffff;
	(erf) = vpow2.f32 v5;
	v2 =	vadd.f32 v59, v2  }
0xed: {  	v5 =	vsub.f32 v11, v7;
	v4 =	vmul.f32 $1.442695020e+00, v4;
	v60 =	vpop (erf)  }
0xee: {  	v12 =	vld.idx.msk [tilespmem:v57+s17+$0x0], $0xffff;
	(erf) = vpow2.f32 v13;
	v2 =	vadd.f32 v60, v2  }
0xef: {  	v5 =	vmul.f32 $1.442695020e+00, v5;
	v61 =	vpop (erf)  }
0xf0: {  	v10 =	vsub.f32 v10, v7;
	(erf) = vpow2.f32 v4;
	v2 =	vadd.f32 v61, v2  }
0xf1: {  	v3 =	vsub.f32 v3, v7;
	v4 =	vpop (erf)  }
0xf2: {  	v10 =	vmul.f32 $1.442695020e+00, v10;
	(erf) = vpow2.f32 v5;
	v2 =	vadd.f32 v4, v2  }
0xf3: {  	v4 =	vsub.f32 v12, v7;
	v5 =	vpop (erf);
	v3 =	vmul.f32 $1.442695020e+00, v3  }
0xf4: {  	(erf) = vpow2.f32 v10;
	v2 =	vadd.f32 v5, v2;
	v5 =	vld [tilespmem:s31+$0x17200]  }
0xf5: {  	v62 =	vpop (erf);
	v4 =	vmul.f32 $1.442695020e+00, v4;
	(erf) = vpow2.f32 v3;
	v3 =	vsub.f32 v9, v7  }
0xf6: {  	v2 =	vadd.f32 v62, v2  }
0xf7: {  	v63 =	vpop (erf);
	(erf) = vpow2.f32 v4;
	v3 =	vmul.f32 $1.442695020e+00, v3;
	v4 =	vsub.f32 v8, v7  }
0xf8: {  	v2 =	vadd.f32 v63, v2  }
0xf9: {  	v8 =	vpop (erf);
	(erf) = vpow2.f32 v3;
	v3 =	vmul.f32 $1.442695020e+00, v4;
	v5 =	vadd.s32 v1, v5  }
0xfa: {  	v2 =	vadd.f32 v8, v2  }
0xfb: {  	v4 =	vpop (erf)  }
0xfc: {  	(erf) = vpow2.f32 v3;
	v2 =	vadd.f32 v4, v2  }
0xfd: {  	v3 =	vpop (erf)  }
0xfe: {  	v2 =	vadd.f32 v3, v2;
	v3 =	vld.idx.msk [tilespmem:v5+s17+$0x0], $0xffff  }
0xff: {  	v4 =	vpop (erf)  }
0x100: {  	v2 =	vadd.f32 v4, v2  }
0x101: {  	v4 =	vpop (erf)  }
0x102: {  	v2 =	vadd.f32 v4, v2  }
0x103: {  	v4 =	vpop (erf);
	v3 =	vsub.f32 v3, v7  }
0x104: {  	v2 =	vadd.f32 v2, v4  }
0x105: {  	v4 =	vpop (erf);
	v3 =	vmul.f32 $1.442695020e+00, v3  }
0x106: {  	v2 =	vadd.f32 v2, v4  }
0x107: {  	(erf) = vpow2.f32 v3  }
0x108: {  	(erf) = vrcp.f32 v2;
	_ =	sdelay $0x7  }
0x109: {  	p0 =	seq.s32 s29, $0xF;
	v2 =	vpop (erf)  }
0x10a: {  	s5 =	smul.u32 @!p0 $0x1900, s29;
	v3 =	vpop (erf)  }
0x10b: {  	v2 =	vmul.f32 v2, v3  }
0x10c: {  	s5 =	sshra.s32 @!p0 s5, $0x2  }
0x10d: {  	s7 =	simm.s32 @!p0 $0x80;
	s13 =	simm.s32 @!p0 $0xA600;
	s6 =	sadd.s32 @!p0 $0x4840, s5;
	[tilespmem:s31+$0x17810] =	vst v2  }
0x10e: {  	[tilespmem:s13], [sflag:$0x2] =	stream.indirect.gather @!p0 [hbm4b:s4+s7], $0x20, s6, s7, $0xb8;
	[tilespmem:$0x17A20] =	vst v63  }
0x10f: {  	s6 =	sadd.s32 @!p0 $0x48C0, s5;
	s13 =	simm.s32 @!p0 $0xB600  }
0x110: {  	[tilespmem:s13], [sflag:$0x2] =	stream.indirect.gather @!p0 [hbm4b:s4+s7], $0x20, s6, s7, $0xb8;
	[tilespmem:$0x17A20] =	vst v63  }
0x111: {  	s6 =	sadd.s32 @!p0 $0x4940, s5;
	s13 =	simm.s32 @!p0 $0xC600  }
0x112: {  	[tilespmem:s13], [sflag:$0x2] =	stream.indirect.gather @!p0 [hbm4b:s4+s7], $0x20, s6, s7, $0xb8;
	[tilespmem:$0x17A20] =	vst v63  }
0x113: {  	s6 =	sadd.s32 @!p0 $0x49C0, s5;
	s13 =	simm.s32 @!p0 $0xD600  }
0x114: {  	[tilespmem:s13], [sflag:$0x2] =	stream.indirect.gather @!p0 [hbm4b:s4+s7], $0x20, s6, s7, $0xb8;
	[tilespmem:$0x17A20] =	vst v63  }
0x115: {  	s6 =	sadd.s32 @!p0 $0x4A40, s5;
	s13 =	simm.s32 @!p0 $0xE600  }
0x116: {  	[tilespmem:s13], [sflag:$0x2] =	stream.indirect.gather @!p0 [hbm4b:s4+s7], $0x20, s6, s7, $0xb8;
	[tilespmem:$0x17A20] =	vst v63  }
0x117: {  	s6 =	sadd.s32 @!p0 $0x4AC0, s5;
	s13 =	simm.s32 @!p0 $0xF600  }
0x118: {  	[tilespmem:s13], [sflag:$0x2] =	stream.indirect.gather @!p0 [hbm4b:s4+s7], $0x20, s6, s7, $0xb8;
	[tilespmem:$0x17A20] =	vst v63  }
0x119: {  	s5 =	sadd.s32 @!p0 $0x4B40, s5;
	s6 =	simm.s32 @!p0 $0x20;
	s7 =	simm.s32 @!p0 $0x10600  }
0x11a: {  	[tilespmem:s7], [sflag:$0x2] =	stream.indirect.gather @!p0 [hbm4b:s4+s6], $0x20, s5, s6, $0xb8;
	[tilespmem:$0x17A20] =	vst v63  }
0x11b: {  	_ =	swait.ge [sflag:s19], $0x6400  }
0x11c: {  	s22 =	simm.s32 $0x0;
	[sflag:s19] =	ssyncset.done $0x0  }
0x11d: {  	s24 =	simm.s32 $0x0;
	s31 =	sor.u32 $0x10, s31;
	[sflag:s19] =	ssyncadd.s32 $0xFFFF9C00  }
.LBB2_11:
0x11e: {  	s5 =	smul.u32 $0x32, s24;
	v17 =	vld [tilespmem:$0x1FFD0]  }
0x11f: {  	s13 =	simm.s32 $0x1;
	s7 =	sadd.s32 s31, s24  }
0x120: {  	v3 =	vadd.s32 s13, v0;
	s13 =	sshll.u32 s7, $0x5;
	s7 =	simm.s32 $0x2;
	s6 =	sadd.s32 $0x30, s5  }
0x121: {  	v5 =	vadd.s32 s7, v0;
	v2 =	vmov s6  }
0x122: {  	v8 =	vmov s13;
	v5 =	vand.u32 $0x1F, v5;
	v2 =	vshll.u32 v2, $0x5  }
0x123: {  	s6 =	sadd.s32 $0x20, s5;
	v16 =	vor.u32 v8, v5;
	v7 =	vadd.s32 v17, v2;
	v2 =	vand.u32 $0x1F, v3  }
0x124: {  	v11 =	vmov s5;
	s7 =	simm.s32 $0x3;
	v4 =	vmov s6;
	v3 =	vor.u32 v7, v2  }
0x125: {  	s5 =	sadd.s32 $0x10, s5;
	v15 =	vadd.s32 s7, v0;
	v4 =	vshll.u32 v4, $0x5;
	v10 =	vor.u32 v8, v2  }
0x126: {  	v13 =	vmov s5;
	v9 =	vadd.s32 v17, v4;
	v4 =	vor.u32 v7, v5  }
0x127: {  	v32 =	vand.u32 $0x1F, v15;
	v13 =	vshll.u32 v13, $0x5;
	v12 =	vor.u32 v9, v5  }
0x128: {  	v15 =	vshll.u32 v11, $0x5;
	v11 =	vadd.s32 v17, v13;
	v14 =	vor.u32 v9, v2;
	v26 =	vld.idx.msk [tilespmem:v16+s15+$0x0], $0xffff  }
0x129: {  	v13 =	vadd.s32 v17, v15;
	v17 =	vor.u32 v11, v5;
	v3 =	vld.idx.msk [tilespmem:v3+s18+$0x0], $0xffff  }
0x12a: {  	v19 =	vor.u32 v13, v2;
	v18 =	vld.idx.msk [tilespmem:v10+s15+$0x0], $0xffff  }
0x12b: {  	v20 =	vor.u32 v9, v32;
	v4 =	vld.idx.msk [tilespmem:v4+s18+$0x0], $0xffff  }
0x12c: {  	[tilespmem:$0x1FFC0] =	vst v22;
	v22 =	vor.u32 v13, v32;
	v12 =	vld.idx.msk [tilespmem:v12+s18+$0x0], $0xffff  }
0x12d: {  	v15 =	vadd.s32 s22, v0;
	v10 =	vor.u32 v8, v32;
	v14 =	vld.idx.msk [tilespmem:v14+s18+$0x0], $0xffff  }
0x12e: {  	v25 =	vand.u32 $0x1F, v15;
	v2 =	vor.u32 v11, v2;
	v17 =	vld.idx.msk [tilespmem:v17+s18+$0x0], $0xffff  }
0x12f: {  	v21 =	vor.u32 v7, v25;
	v27 =	vld.idx.msk [tilespmem:v19+s18+$0x0], $0xffff  }
0x130: {  	v36 =	vor.u32 v8, v25;
	v29 =	vld.idx.msk [tilespmem:v20+s18+$0x0], $0xffff  }
0x131: {  	v31 =	vimm.f32 $0.0e+00;
	v16 =	vor.u32 v11, v25;
	v19 =	vld.idx.msk [tilespmem:v22+s18+$0x0], $0xffff  }
0x132: {  	v51 =	vimm.f32 $0.0e+00;
	v40 =	vimm.f32 $0.0e+00;
	v15 =	vld.idx.msk [tilespmem:v10+s15+$0x0], $0xffff;
	v10 =	vor.u32 v7, v32  }
0x133: {  	v39 =	vimm.f32 $0.0e+00;
	v5 =	vor.u32 v13, v5;
	v35 =	vld.idx.msk [tilespmem:v2+s18+$0x0], $0xffff;
	v3 =	vnsel vm0, $0x0, v3  }
0x134: {  	v38 =	vor.u32 v11, v32;
	v33 =	vld.idx.msk [tilespmem:v21+s18+$0x0], $0xffff;
	v21 =	vmul.f32 v3, v18;
	v24 =	vmul.f32 v12, v12  }
0x135: {  	v34 =	vor.u32 v13, v25;
	v37 =	vld.idx.msk [tilespmem:v36+s15+$0x0], $0xffff;
	v20 =	vmul.f32 v14, v18;
	v12 =	vmul.f32 v12, v26  }
0x136: {  	v45 =	vor.u32 v9, v25;
	v30 =	vld.idx.msk [tilespmem:v16+s18+$0x0], $0xffff;
	v23 =	vmul.f32 v17, v26;
	v22 =	vmul.f32 v17, v17  }
0x137: {  	v36 =	vimm.f32 $0.0e+00;
	v28 =	vmul.f32 v14, v14;
	v17 =	vmul.f32 v29, v29;
	v16 =	vld.idx.msk [tilespmem:v10+s18+$0x0], $0xffff  }
0x138: {  	v2 =	vnsel vm0, $0x0, v4;
	v44 =	vmul.f32 v27, v18;
	v46 =	vmul.f32 v3, v3  }
0x139: {  	v42 =	vld.idx.msk [tilespmem:v5+s18+$0x0], $0xffff;
	v32 =	vimm.f32 $0.0e+00;
	v43 =	vmul.f32 v2, v2;
	v25 =	vmul.f32 v19, v19  }
0x13a: {  	v47 =	vld.idx.msk [tilespmem:v34+s18+$0x0], $0xffff;
	v49 =	vmul.f32 v35, v35;
	v34 =	vmul.f32 v2, v26;
	v50 =	vnsel vm0, $0x0, v33  }
0x13b: {  	s13 =	sand.u32 $0x3FFFFFE0, s13;
	v45 =	vld.idx.msk [tilespmem:v45+s18+$0x0], $0xffff;
	v33 =	vimm.f32 $0.0e+00;
	v4 =	vmul.f32 v30, v30;
	v52 =	vmul.f32 v50, v50  }
0x13c: {  	v14 =	vld [tilespmem:s13+$0x200];
	v10 =	vmul.f32 v29, v15;
	v29 =	vmul.f32 v27, v27;
	v3 =	vnsel vm0, $0x0, v16  }
0x13d: {  	v48 =	vadd.f32 v4, v31;
	v16 =	vld [tilespmem:s13+$0x210];
	s13 =	simm.s32 $0x4;
	v27 =	vmul.f32 v3, v15;
	v41 =	vmul.f32 v3, v3  }
.LBB2_12:
0x13e: {  	s5 =	sadd.s32 $0x1, s13  }
0x13f: {  	p1 =	slt.u32 s13, $0x1C;
	v2 =	vmul.f32 v47, v37;
	v3 =	vmul.f32 v47, v47;
	v4 =	vadd.f32 v52, v31;
	s6 =	smov.u32 s13;
	s13 =	sadd.s32 $0x4, s13  }
0x140: {  	v31 =	vmul.f32 v50, v37;
	v50 =	vmul.f32 v42, v26;
	v5 =	vadd.s32 s5, v0  }
0x141: {  	v5 =	vand.u32 $0x1F, v5;
	v2 =	vadd.f32 v2, v51;
	v4 =	vadd.f32 v46, v4;
	v26 =	vld.idx.msk [tilespmem:v38+s18+$0x0], $0xffff  }
0x142: {  	v35 =	vmul.f32 v35, v18;
	s5 =	sadd.s32 $0x2, s6;
	v38 =	vor.u32 v8, v5;
	v46 =	vor.u32 v7, v5  }
0x143: {  	v42 =	vmul.f32 v42, v42;
	v18 =	vadd.s32 s5, v0;
	v2 =	vadd.f32 v44, v2  }
0x144: {  	v47 =	vmul.f32 v45, v37;
	v48 =	vadd.f32 v49, v48;
	v44 =	vand.u32 $0x1F, v18  }
0x145: {  	v40 =	vadd.f32 v31, v40;
	v49 =	vor.u32 v9, v44;
	v51 =	vor.u32 v7, v44  }
0x146: {  	v45 =	vmul.f32 v45, v45;
	s5 =	sadd.s32 $0x3, s6;
	v52 =	vor.u32 v9, v5;
	v4 =	vadd.f32 v43, v4  }
0x147: {  	v30 =	vmul.f32 v30, v37;
	v18 =	vadd.s32 s5, v0;
	v43 =	vld.idx.msk [tilespmem:v46+s18+$0x0], $0xffff;
	v46 =	vor.u32 v8, v44  }
0x148: {  	v37 =	vor.u32 v11, v44;
	v53 =	vand.u32 $0x1F, v18;
	v54 =	vmul.f32 v26, v15  }
0x149: {  	v31 =	vadd.s32 s6, v0;
	v55 =	vmul.f32 v26, v26;
	v18 =	vld.idx.msk [tilespmem:v38+s15+$0x0], $0xffff;
	v38 =	vor.u32 v8, v53  }
0x14a: {  	v56 =	vand.u32 $0x1F, v31;
	v57 =	vor.u32 v13, v5;
	v31 =	vadd.f32 v41, v4;
	v51 =	vld.idx.msk [tilespmem:v51+s18+$0x0], $0xffff  }
0x14b: {  	v30 =	vadd.f32 v30, v39;
	v4 =	vor.u32 v13, v56;
	v41 =	vor.u32 v7, v56;
	v49 =	vld.idx.msk [tilespmem:v49+s18+$0x0], $0xffff  }
0x14c: {  	v39 =	vor.u32 v8, v56;
	v58 =	vor.u32 v11, v56;
	v59 =	vor.u32 v9, v53;
	v52 =	vld.idx.msk [tilespmem:v52+s18+$0x0], $0xffff  }
0x14d: {  	v40 =	vadd.f32 v21, v40;
	v43 =	vnsel vm0, $0x0, v43;
	v26 =	vld.idx.msk [tilespmem:v46+s15+$0x0], $0xffff;
	v46 =	vor.u32 v7, v53  }
0x14e: {  	v32 =	vadd.f32 v45, v32;
	v56 =	vor.u32 v9, v56;
	v61 =	vor.u32 v13, v53;
	v60 =	vld.idx.msk [tilespmem:v38+s15+$0x0], $0xffff  }
0x14f: {  	v36 =	vadd.f32 v47, v36;
	v3 =	vadd.f32 v3, v33;
	v5 =	vor.u32 v11, v5;
	v45 =	vld.idx.msk [tilespmem:v37+s18+$0x0], $0xffff  }
0x150: {  	v30 =	vadd.f32 v35, v30;
	v33 =	vadd.f32 v34, v40;
	v21 =	vmul.f32 v43, v18;
	v57 =	vld.idx.msk [tilespmem:v57+s18+$0x0], $0xffff  }
0x151: {  	v35 =	vadd.f32 v20, v36;
	v34 =	vor.u32 v13, v44;
	v62 =	vmul.f32 v49, v49;
	v44 =	vld.idx.msk [tilespmem:v59+s18+$0x0], $0xffff  }
0x152: {  	v63 =	vmul.f32 v19, v15;
	v28 =	vadd.f32 v28, v32;
	v59 =	vadd.f32 v23, v30;
	v41 =	vld.idx.msk [tilespmem:v41+s18+$0x0], $0xffff  }
0x153: {  	v3 =	vadd.f32 v29, v3;
	v15 =	vadd.f32 v22, v48;
	v38 =	vor.u32 v11, v53;
	v30 =	vld.idx.msk [tilespmem:v58+s18+$0x0], $0xffff  }
0x154: {  	v48 =	vadd.f32 v12, v35;
	v22 =	vadd.f32 v24, v28;
	v20 =	vmul.f32 v52, v18;
	v36 =	vld.idx.msk [tilespmem:v46+s18+$0x0], $0xffff  }
0x155: {  	v3 =	vadd.f32 v42, v3;
	v12 =	vmul.f32 v49, v26;
	v35 =	vld.idx.msk [tilespmem:v5+s18+$0x0], $0xffff;
	v5 =	vadd.f32 v55, v15  }
0x156: {  	v40 =	vadd.f32 v27, v33;
	v32 =	vadd.f32 v17, v22;
	v23 =	vmul.f32 v45, v26;
	v19 =	vld.idx.msk [tilespmem:v61+s18+$0x0], $0xffff  }
0x157: {  	v33 =	vadd.f32 v25, v3;
	v22 =	vmul.f32 v45, v45;
	v37 =	vld.idx.msk [tilespmem:v39+s15+$0x0], $0xffff;
	v39 =	vmul.f32 v44, v60  }
0x158: {  	v3 =	vnsel vm0, $0x0, v51;
	v28 =	vmul.f32 v52, v52;
	v15 =	vmovc v60;
	v17 =	vmul.f32 v44, v44;
	v47 =	vld.idx.msk [tilespmem:v4+s18+$0x0], $0xffff  }
0x159: {  	v2 =	vadd.f32 v50, v2;
	v46 =	vmul.f32 v43, v43;
	v44 =	vmul.f32 v57, v18;
	v42 =	vld.idx.msk [tilespmem:v34+s18+$0x0], $0xffff  }
.Ltmp6:
0x15a: {  	v24 =	vmovc v62;
	v43 =	vmul.f32 v3, v3;
	v29 =	vmul.f32 v57, v57;
	v4 =	vnsel vm0, $0x0, v36;
	v45 =	vld.idx.msk [tilespmem:v56+s18+$0x0], $0xffff;
	(pc) =	sbr.rel @p1 .LBB2_12-.Ltmp6, $4  }
0x15b: {  	v34 =	vmul.f32 v30, v30;
	v36 =	vadd.f32 v10, v48;
	v10 =	vmovc v39;
	v27 =	vmul.f32 v4, v15  }
0x15c: {  	v50 =	vnsel vm0, $0x0, v41;
	v39 =	vadd.f32 v54, v59;
	v25 =	vmul.f32 v19, v19  }
0x15d: {  	v51 =	vadd.f32 v63, v2;
	v52 =	vmul.f32 v50, v50;
	v41 =	vmul.f32 v4, v4  }
0x15e: {  	v49 =	vmul.f32 v35, v35;
	v48 =	vadd.f32 v34, v5;
	v34 =	vmul.f32 v3, v26  }
0x15f: {  	v2 =	vmul.f32 v47, v37  }
0x160: {  	v3 =	vadd.f32 v52, v31;
	v4 =	vmul.f32 v50, v37;
	v5 =	vmul.f32 v47, v47  }
0x161: {  	v7 =	vmul.f32 v45, v37;
	v8 =	vmul.f32 v30, v37;
	v9 =	vadd.f32 v49, v48  }
0x162: {  	v11 =	vmul.f32 v45, v45;
	v2 =	vadd.f32 v2, v51;
	v3 =	vadd.f32 v46, v3  }
0x163: {  	v61 =	vmul.f32 v14, v14;
	v4 =	vadd.f32 v4, v40;
	v8 =	vadd.f32 v8, v39  }
0x164: {  	v11 =	vadd.f32 v11, v32;
	v7 =	vadd.f32 v7, v36  }
0x165: {  	v5 =	vadd.f32 v5, v33;
	v6 =	vadd.f32 v61, v6  }
0x166: {  	v13 =	vld.idx.msk [tilespmem:v38+s18+$0x0], $0xffff;
	v18 =	vmul.f32 v35, v18;
	v9 =	vadd.f32 v22, v9;
	v2 =	vadd.f32 v44, v2  }
0x167: {  	v3 =	vadd.f32 v43, v3;
	v4 =	vadd.f32 v21, v4  }
0x168: {  	v8 =	vadd.f32 v18, v8;
	v7 =	vadd.f32 v20, v7  }
0x169: {  	v59 =	vmul.f32 v42, v42;
	v11 =	vadd.f32 v28, v11;
	v5 =	vadd.f32 v29, v5  }
0x16a: {  	v21 =	vmul.f32 v42, v26;
	v3 =	vadd.f32 v41, v3;
	v4 =	vadd.f32 v34, v4  }
0x16b: {  	v63 =	vld [tilespmem:$0x1FFC0];
	v20 =	vmul.f32 v13, v13;
	v8 =	vadd.f32 v23, v8;
	v7 =	vadd.f32 v12, v7  }
0x16c: {  	v60 =	vmul.f32 v19, v15;
	v11 =	vadd.f32 v24, v11;
	v5 =	vadd.f32 v59, v5  }
0x16d: {  	v62 =	vmul.f32 v16, v16;
	v2 =	vadd.f32 v21, v2;
	v9 =	vadd.f32 v20, v9  }
0x16e: {  	s5 =	smul.u32 $0x41, s24;
	s24 =	sadd.s32 $0x1, s24;
	v13 =	vmul.f32 v13, v15;
	v11 =	vadd.f32 v17, v11;
	v5 =	vadd.f32 v25, v5  }
0x16f: {  	p1 =	sne.s32 s24, $0x10;
	v2 =	vadd.f32 v60, v2;
	v7 =	vadd.f32 v10, v7  }
.Ltmp7:
0x170: {  	v8 =	vadd.f32 v13, v8;
	v10 =	vadd.f32 v62, v63;
	(pc) =	sbr.rel @p1 .LBB2_11-.Ltmp7, $4  }
0x171: {  	[tilespmem:s5+$0x17400] =	vst v2;
	s5 =	sand.u32 $0x3FF, s5;
	v2 =	vadd.f32 v9, v5;
	v3 =	vadd.f32 v3, v11  }
0x172: {  	v4 =	vadd.f32 v27, v4;
	[tilespmem:s5+$0x17410] =	vst v8  }
0x173: {  	[tilespmem:s5+$0x17420] =	vst v7;
	v6 =	vadd.f32 v2, v6;
	v22 =	vadd.f32 v3, v10  }
0x174: {  	[tilespmem:s5+$0x17430] =	vst v4  }
0x175: {  	s5 =	simm.s32 $0x0  }
0x176: {  	v2 =	vadd.s32 s5, v1  }
0x177: {  	s24 =	simm.s32 $0x1  }
0x178: {  	s6 =	simm.s32 $0x2;
	v3 =	vadd.s32 s24, v1  }
0x179: {  	s7 =	simm.s32 $0x3;
	v4 =	vadd.s32 s6, v1  }
0x17a: {  	s6 =	simm.s32 $0x4;
	v5 =	vadd.s32 s7, v1  }
0x17b: {  	v10 =	vadd.s32 s6, v1;
	v2 =	vld.idx.msk [tilespmem:v2+s17+$0x0], $0xffff  }
0x17c: {  	s13 =	simm.s32 $0x5  }
0x17d: {  	s22 =	simm.s32 $0x6;
	v13 =	vadd.s32 s13, v1;
	v7 =	vld.idx.msk [tilespmem:v3+s17+$0x0], $0xffff  }
0x17e: {  	s24 =	simm.s32 $0x7;
	v11 =	vadd.s32 s22, v1;
	v8 =	vld.idx.msk [tilespmem:v4+s17+$0x0], $0xffff  }
0x17f: {  	v12 =	vadd.s32 s24, v1;
	v3 =	vimm.f32 $-3.000000010e+38;
	v9 =	vld.idx.msk [tilespmem:v5+s17+$0x0], $0xffff  }
0x180: {  	s13 =	simm.s32 $0x8;
	v10 =	vld.idx.msk [tilespmem:v10+s17+$0x0], $0xffff;
	v14 =	vmax.f32 v3, v2  }
.LBB2_15:
0x181: {  	s5 =	sadd.s32 $0x1, s13  }
0x182: {  	v2 =	vadd.s32 s13, v1;
	p1 =	slt.u32 s13, $0x2C;
	v3 =	vmax.f32 v14, v7;
	v7 =	vld.idx.msk [tilespmem:v13+s17+$0x0], $0xffff;
	s6 =	smov.u32 s13;
	s13 =	sadd.s32 $0x4, s13  }
.Ltmp8:
0x183: {  	v13 =	vadd.s32 s5, v1;
	s5 =	sadd.s32 $0x2, s6;
	v3 =	vmax.f32 v3, v8;
	v8 =	vld.idx.msk [tilespmem:v11+s17+$0x0], $0xffff;
	(pc) =	sbr.rel @p1 .LBB2_15-.Ltmp8, $3  }
0x184: {  	v11 =	vadd.s32 s5, v1;
	s5 =	sadd.s32 $0x3, s6;
	v3 =	vmax.f32 v3, v9;
	v9 =	vld.idx.msk [tilespmem:v12+s17+$0x0], $0xffff  }
0x185: {  	v12 =	vadd.s32 s5, v1;
	_ =	sdelay $0x1  }
0x186: {  	v14 =	vmax.f32 v3, v10;
	v10 =	vld.idx.msk [tilespmem:v2+s17+$0x0], $0xffff  }
0x187: {  	v4 =	vmax.f32 v14, v7  }
0x188: {  	v4 =	vmax.f32 v4, v8;
	v8 =	vld [tilespmem:$0x1FFE0];
	_ =	sdelay $0x7  }
0x189: {  	v4 =	vmax.f32 v4, v9;
	v9 =	vld.idx.msk [tilespmem:v8+s17+$0x0], $0xffff  }
0x18a: {  	v8 =	vld [tilespmem:$0x1FFF0];
	_ =	sdelay $0x2  }
0x18b: {  	s5 =	simm.s32 $0x0;
	v2 =	vld.idx.msk [tilespmem:v13+s17+$0x0], $0xffff  }
0x18c: {  	v3 =	vadd.s32 s5, v1  }
0x18d: {  	v5 =	vld.idx.msk [tilespmem:v11+s17+$0x0], $0xffff  }
0x18e: {  	v7 =	vld.idx.msk [tilespmem:v12+s17+$0x0], $0xffff  }
0x18f: {  	s22 =	simm.s32 $0x1;
	v4 =	vmax.f32 v4, v10  }
0x190: {  	v2 =	vmax.f32 v4, v2;
	v4 =	vadd.s32 s22, v1;
	v8 =	vld.idx.msk [tilespmem:v8+s17+$0x0], $0xffff  }
0x191: {  	s24 =	simm.s32 $0x2;
	v3 =	vld.idx.msk [tilespmem:v3+s17+$0x0], $0xffff  }
0x192: {  	v2 =	vmax.f32 v2, v5;
	v5 =	vadd.s32 s24, v1  }
0x193: {  	s6 =	simm.s32 $0x3;
	v2 =	vmax.f32 v2, v7  }
0x194: {  	v10 =	vadd.s32 s6, v1;
	v2 =	vmax.f32 v2, v9  }
0x195: {  	s7 =	simm.s32 $0x4;
	v4 =	vld.idx.msk [tilespmem:v4+s17+$0x0], $0xffff;
	v7 =	vmax.f32 v2, v8  }
0x196: {  	v2 =	vadd.s32 s7, v1;
	v3 =	vsub.f32 v3, v7  }
0x197: {  	s13 =	simm.s32 $0x5;
	v5 =	vld.idx.msk [tilespmem:v5+s17+$0x0], $0xffff  }
0x198: {  	v11 =	vadd.s32 s13, v1;
	s22 =	simm.s32 $0x6;
	v3 =	vmul.f32 $1.442695020e+00, v3  }
0x199: {  	v12 =	vadd.s32 s22, v1;
	v10 =	vld.idx.msk [tilespmem:v10+s17+$0x0], $0xffff  }
0x19a: {  	s24 =	simm.s32 $0x7;
	(erf) = vpow2.f32 v3;
	v3 =	vsub.f32 v4, v7  }
0x19b: {  	v13 =	vadd.s32 s24, v1;
	v2 =	vld.idx.msk [tilespmem:v2+s17+$0x0], $0xffff  }
0x19c: {  	s6 =	simm.s32 $0x8;
	s7 =	simm.s32 $0x9;
	v5 =	vsub.f32 v5, v7;
	v3 =	vmul.f32 $1.442695020e+00, v3  }
0x19d: {  	v17 =	vadd.s32 s7, v1;
	v4 =	vld.idx.msk [tilespmem:v11+s17+$0x0], $0xffff;
	v11 =	vadd.s32 s6, v1  }
0x19e: {  	s13 =	simm.s32 $0xA;
	v18 =	vld.idx.msk [tilespmem:v12+s17+$0x0], $0xffff;
	v10 =	vsub.f32 v10, v7;
	v5 =	vmul.f32 $1.442695020e+00, v5;
	(erf) = vpow2.f32 v3  }
0x19f: {  	v20 =	vadd.s32 s13, v1  }
0x1a0: {  	s22 =	simm.s32 $0xB;
	v21 =	vld.idx.msk [tilespmem:v13+s17+$0x0], $0xffff;
	v3 =	vmul.f32 $1.442695020e+00, v10;
	v2 =	vsub.f32 v2, v7;
	(erf) = vpow2.f32 v5  }
0x1a1: {  	v14 =	vadd.s32 s22, v1  }
0x1a2: {  	v4 =	vsub.f32 v4, v7;
	v15 =	vld.idx.msk [tilespmem:v11+s17+$0x0], $0xffff;
	(erf) = vpow2.f32 v3;
	v2 =	vmul.f32 $1.442695020e+00, v2  }
0x1a3: {  	s13 =	simm.s32 $0xC;
	v12 =	vld.idx.msk [tilespmem:v17+s17+$0x0], $0xffff;
	v17 =	vsub.f32 v18, v7  }
0x1a4: {  	s24 =	simm.s32 $0xD;
	v11 =	vadd.s32 s13, v1;
	v19 =	vmul.f32 $1.442695020e+00, v4;
	(erf) = vpow2.f32 v2  }
0x1a5: {  	v16 =	vimm.f32 $0.0e+00;
	s22 =	simm.s32 $0x10;
	v13 =	vld.idx.msk [tilespmem:v20+s17+$0x0], $0xffff;
	v18 =	vsub.f32 v21, v7;
	v10 =	vadd.s32 s24, v1;
	v20 =	vpop (erf)  }
.LBB2_17:
0x1a6: {  	p1 =	slt.u32 s22, $0x2C;
	s5 =	sadd.s32 $0x2, s13;
	v2 =	vmul.f32 $1.442695020e+00, v17;
	(erf) = vpow2.f32 v19;
	v3 =	vadd.f32 v20, v16  }
0x1a7: {  	v5 =	vsub.f32 v15, v7;
	v4 =	vadd.s32 s5, v1;
	v20 =	vld.idx.msk [tilespmem:v14+s17+$0x0], $0xffff;
	v14 =	vpop (erf)  }
0x1a8: {  	s5 =	sadd.s32 $0x3, s13;
	v16 =	vmul.f32 $1.442695020e+00, v18;
	s13 =	smov.u32 s22;
	(erf) = vpow2.f32 v2;
	v2 =	vadd.f32 v14, v3  }
.Ltmp9:
0x1a9: {  	v14 =	vadd.s32 s5, v1;
	v3 =	vsub.f32 v12, v7;
	v15 =	vld.idx.msk [tilespmem:v11+s17+$0x0], $0xffff;
	v11 =	vpop (erf);
	(pc) =	sbr.rel @p1 .LBB2_17-.Ltmp9, $4  }
0x1aa: {  	v5 =	vmul.f32 $1.442695020e+00, v5;
	(erf) = vpow2.f32 v16;
	v2 =	vadd.f32 v11, v2  }
0x1ab: {  	v11 =	vadd.s32 s22, v1;
	v17 =	vsub.f32 v13, v7;
	v12 =	vld.idx.msk [tilespmem:v10+s17+$0x0], $0xffff;
	v10 =	vpop (erf)  }
0x1ac: {  	s5 =	sadd.s32 $0x1, s22;
	v19 =	vmul.f32 $1.442695020e+00, v3;
	(erf) = vpow2.f32 v5;
	v16 =	vadd.f32 v10, v2  }
0x1ad: {  	s22 =	sadd.s32 $0x4, s22;
	v10 =	vadd.s32 s5, v1;
	v18 =	vsub.f32 v20, v7;
	v13 =	vld.idx.msk [tilespmem:v4+s17+$0x0], $0xffff;
	v20 =	vpop (erf)  }
0x1ae: {  	_ =	sdelay $0x1  }
0x1af: {  	v2 =	vmul.f32 $1.442695020e+00, v17;
	(erf) = vpow2.f32 v19;
	v3 =	vadd.f32 v20, v16  }
0x1b0: {  	v4 =	vsub.f32 v15, v7;
	v5 =	vpop (erf)  }
0x1b1: {  	s5 =	sadd.s32 $0x2, s13;
	v14 =	vld.idx.msk [tilespmem:v14+s17+$0x0], $0xffff;
	v55 =	vmul.f32 $1.442695020e+00, v18;
	(erf) = vpow2.f32 v2;
	v2 =	vadd.f32 v5, v3  }
0x1b2: {  	v3 =	vadd.s32 s5, v1;
	v5 =	vsub.f32 v12, v7;
	v56 =	vpop (erf)  }
0x1b3: {  	s24 =	sadd.s32 $0x3, s13;
	v11 =	vld.idx.msk [tilespmem:v11+s17+$0x0], $0xffff;
	v4 =	vmul.f32 $1.442695020e+00, v4;
	(erf) = vpow2.f32 v55;
	v2 =	vadd.f32 v56, v2  }
0x1b4: {  	v57 =	vadd.s32 s24, v1;
	v13 =	vsub.f32 v13, v7;
	v58 =	vpop (erf)  }
0x1b5: {  	v5 =	vmul.f32 $1.442695020e+00, v5;
	(erf) = vpow2.f32 v4;
	v2 =	vadd.f32 v58, v2  }
0x1b6: {  	v10 =	vld.idx.msk [tilespmem:v10+s17+$0x0], $0xffff;
	v4 =	vsub.f32 v14, v7;
	v59 =	vpop (erf)  }
0x1b7: {  	v13 =	vmul.f32 $1.442695020e+00, v13;
	v3 =	vld.idx.msk [tilespmem:v3+s17+$0x0], $0xffff;
	(erf) = vpow2.f32 v5;
	v2 =	vadd.f32 v59, v2  }
0x1b8: {  	v5 =	vsub.f32 v11, v7;
	v4 =	vmul.f32 $1.442695020e+00, v4;
	v60 =	vpop (erf)  }
0x1b9: {  	v12 =	vld.idx.msk [tilespmem:v57+s17+$0x0], $0xffff;
	(erf) = vpow2.f32 v13;
	v2 =	vadd.f32 v60, v2  }
0x1ba: {  	v5 =	vmul.f32 $1.442695020e+00, v5;
	v61 =	vpop (erf)  }
0x1bb: {  	v10 =	vsub.f32 v10, v7;
	(erf) = vpow2.f32 v4;
	v2 =	vadd.f32 v61, v2  }
0x1bc: {  	v3 =	vsub.f32 v3, v7;
	v4 =	vpop (erf)  }
0x1bd: {  	v10 =	vmul.f32 $1.442695020e+00, v10;
	(erf) = vpow2.f32 v5;
	v2 =	vadd.f32 v4, v2  }
0x1be: {  	v4 =	vsub.f32 v12, v7;
	v5 =	vpop (erf);
	v3 =	vmul.f32 $1.442695020e+00, v3  }
0x1bf: {  	(erf) = vpow2.f32 v10;
	v2 =	vadd.f32 v5, v2;
	v5 =	vld [tilespmem:s31+$0x17200]  }
0x1c0: {  	v62 =	vpop (erf);
	v4 =	vmul.f32 $1.442695020e+00, v4;
	(erf) = vpow2.f32 v3;
	v3 =	vsub.f32 v9, v7  }
0x1c1: {  	v2 =	vadd.f32 v62, v2  }
0x1c2: {  	v63 =	vpop (erf);
	(erf) = vpow2.f32 v4;
	v3 =	vmul.f32 $1.442695020e+00, v3;
	v4 =	vsub.f32 v8, v7  }
0x1c3: {  	v2 =	vadd.f32 v63, v2  }
0x1c4: {  	v8 =	vpop (erf);
	(erf) = vpow2.f32 v3;
	v3 =	vmul.f32 $1.442695020e+00, v4;
	v5 =	vadd.s32 v1, v5  }
0x1c5: {  	v2 =	vadd.f32 v8, v2  }
0x1c6: {  	v4 =	vpop (erf)  }
0x1c7: {  	(erf) = vpow2.f32 v3;
	v2 =	vadd.f32 v4, v2  }
0x1c8: {  	v3 =	vpop (erf)  }
0x1c9: {  	v2 =	vadd.f32 v3, v2;
	v3 =	vld.idx.msk [tilespmem:v5+s17+$0x0], $0xffff  }
0x1ca: {  	v4 =	vpop (erf)  }
0x1cb: {  	v2 =	vadd.f32 v4, v2  }
0x1cc: {  	v4 =	vpop (erf)  }
0x1cd: {  	v2 =	vadd.f32 v4, v2  }
0x1ce: {  	v4 =	vpop (erf);
	v3 =	vsub.f32 v3, v7  }
0x1cf: {  	v2 =	vadd.f32 v2, v4  }
0x1d0: {  	v4 =	vpop (erf);
	v3 =	vmul.f32 $1.442695020e+00, v3  }
0x1d1: {  	v2 =	vadd.f32 v2, v4  }
0x1d2: {  	(erf) = vpow2.f32 v3  }
0x1d3: {  	(erf) = vrcp.f32 v2;
	_ =	sdelay $0x7  }
.Ltmp10:
0x1d4: {  	v2 =	vpop (erf);
	(pc) =	sbr.rel @p0 .LBB2_20-.Ltmp10, $3  }
0x1d5: {  	v3 =	vpop (erf)  }
0x1d6: {  	v2 =	vmul.f32 v2, v3;
	_ =	sdelay $0x1  }
0x1d7: {  	[tilespmem:s31+$0x17810] =	vst v2  }
0x1d8: {  	s5 =	smul.u32 $0x1900, s29;
	_ =	sdelay $0x1  }
0x1d9: {  	s5 =	sshra.s32 s5, $0x2  }
0x1da: {  	s6 =	sadd.s32 $0x4B60, s5  }
0x1db: {  	[tilespmem:s18], [sflag:$0x3] =	stream.indirect.gather [hbm4b:s4+s14], $0x20, s6, s14, $0xb8;
	[tilespmem:$0x17A20] =	vst v63  }
0x1dc: {  	s7 =	sadd.s32 $0x4BE0, s5  }
0x1dd: {  	[tilespmem:s20], [sflag:$0x3] =	stream.indirect.gather [hbm4b:s4+s14], $0x20, s7, s14, $0xb8;
	[tilespmem:$0x17A20] =	vst v63  }
0x1de: {  	s13 =	sadd.s32 $0x4C60, s5  }
0x1df: {  	[tilespmem:s23], [sflag:$0x3] =	stream.indirect.gather [hbm4b:s4+s14], $0x20, s13, s14, $0xb8;
	[tilespmem:$0x17A20] =	vst v63  }
0x1e0: {  	s22 =	sadd.s32 $0x4CE0, s5  }
0x1e1: {  	[tilespmem:s25], [sflag:$0x3] =	stream.indirect.gather [hbm4b:s4+s14], $0x20, s22, s14, $0xb8;
	[tilespmem:$0x17A20] =	vst v63  }
0x1e2: {  	s24 =	sadd.s32 $0x4D60, s5  }
0x1e3: {  	[tilespmem:s28], [sflag:$0x3] =	stream.indirect.gather [hbm4b:s4+s14], $0x20, s24, s14, $0xb8;
	[tilespmem:$0x17A20] =	vst v63  }
.Ltmp11:
0x1e4: {  	_ = 	snop;
	(pc) =	sbr.rel .LBB2_2-.Ltmp11, $4  }
0x1e5: {  	s31 =	sadd.s32 $0x4DE0, s5  }
0x1e6: {  	[tilespmem:s30], [sflag:$0x3] =	stream.indirect.gather [hbm4b:s4+s14], $0x20, s31, s14, $0xb8;
	[tilespmem:$0x17A20] =	vst v63  }
0x1e7: {  	s29 =	sadd.s32 $0x1, s29;
	s5 =	sadd.s32 $0x4E60, s5  }
0x1e8: {  	[tilespmem:s0], [sflag:$0x3] =	stream.indirect.gather [hbm4b:s4+s1], $0x20, s5, s1, $0xb8;
	[tilespmem:$0x17A20] =	vst v63  }
.LBB2_21:
0x1e9: {  	_ =	sfence.sel $0x180000  }
0x1ea: {  	[bflag:$0x0] =	sbarrier.arrive $0xFFFF  }
0x1eb: {  	_ =	strace $0x90000047  }
0x1ec: {  	s0 =	stileid.u32;
	[bflag:$0x2] =	sbarrier.arrive $0xFFFF  }
0x1ed: {  	p0 =	sne.s32 s0, $0x0;
	s0 =	rddreg [dreg:$0x6]  }
0x1ee: {  	s0 =	sadd.s32 @!p0 $0x100000, s0  }
0x1ef: {  	[sflag:s0] =	ssyncadd.tile.s32 @!p0 $0x1;
	_ =	shalt  }
.Lfunc_end2:
_tile_overlayer_lowered:
.L_overlay_start_2:
0x1f0: {  	(tag) =	ssettag $0x2  }
0x1f1: {  	s0 =	rddreg [dreg:$0x0];
	s2 =	stileid.u32  }
0x1f2: {  	s1 =	rddreg [dreg:$0x1];
	p0 =	sne.s32 s2, $0x0  }
0x1f3: {  	s3 =	rddreg [dreg:$0x2];
	[bflag:$0x3] =	sbarrier.arrive $0xFFFF;
	s2 =	simm.s32 @!p0 $0x1C04  }
0x1f4: {  	[timem:s3], [sflag:s2] =	dma.local @!p0 [hbm:s0], s1  }
0x1f5: {  	s0 =	simm.s32 @!p0 $0x4  }
0x1f6: {  	_ =	swait.ge @!p0 [sflag:s0], s1  }
0x1f7: {  	s1 =	ssub.s32 @!p0 $0x0, s1;
	[sflag:s0] =	ssyncset.done @!p0 $0x0  }
0x1f8: {  	[sflag:s0] =	ssyncadd.s32 @!p0 s1  }
0x1f9: {  	[bflag:$0x3] =	sbarrier.arrive $0xFFFF  }
0x1fa: {  	_ =	shalt  }

</sc_bundles>
